<compile_context>
chip_gen: v7x
topology: tpu7x:2x2x1
jax: 0.10.2.dev20260603
libtpu: 0.0.44.dev20260713+nightly
codegen_flags: <defaults>
</compile_context>

<pallas_src>
import functools

import jax
import jax.numpy as jnp
from jax import lax
from jax.experimental import pallas as pl
from jax.experimental.pallas import tpu as pltpu
from jax.experimental.pallas import tpu_sc as plsc

CHUNK_ROWS = 16
TD = 2
SD = 4


def kernel(x):
    batch, width = x.shape
    info = plsc.get_sparse_core_info()
    nc, ns, lanes = info.num_cores, info.num_subcores, info.num_lanes
    nw = nc * ns
    rows_per_w = batch // nw
    half = rows_per_w // 2
    n_chunks = half // CHUNK_ROWS

    mesh = plsc.VectorSubcoreMesh(core_axis_name="c", subcore_axis_name="s")

    sem_types = [pltpu.SemaphoreType.DMA] * (2 * TD + 2 * SD)

    @functools.partial(
        pl.kernel,
        out_type=jax.ShapeDtypeStruct((batch, width), x.dtype),
        mesh=mesh,
        scratch_types=[
            pltpu.VMEM((TD, CHUNK_ROWS, width), x.dtype),
            pltpu.VMEM_SHARED((ns, SD, CHUNK_ROWS, width), x.dtype),
        ] + sem_types,
    )
    def _sc(x_hbm, o_hbm, tbuf, shared, *sems):
        tins = sems[0:TD]
        touts = sems[TD:2 * TD]
        sins = sems[2 * TD:2 * TD + SD]
        souts = sems[2 * TD + SD:]
        s = lax.axis_index("s")
        wid = s * nc + lax.axis_index("c")
        base_t = wid * rows_per_w
        base_s = base_t + half

        def islice(base, g):
            return x_hbm.at[pl.ds(base + g * CHUNK_ROWS, CHUNK_ROWS)]

        def oslice(base, g):
            return o_hbm.at[pl.ds(base + g * CHUNK_ROWS, CHUNK_ROWS)]

        for b in range(TD):
            pltpu.async_copy(islice(base_t, b), tbuf.at[b], tins[b])
        for b in range(SD):
            pltpu.async_copy(islice(base_s, b), shared.at[s, b], sins[b])

        lcm = TD * SD

        def outer(gg, _):
            for k in range(lcm):
                g = gg * lcm + k
                bt = k % TD
                bs = k % SD
                tb = tbuf.at[bt]
                sb = shared.at[s, bs]

                pltpu.make_async_copy(islice(base_t, g), tb, tins[bt]).wait()
                pltpu.make_async_copy(islice(base_s, g), sb, sins[bs]).wait()

                @pl.when(g >= TD)
                def _drain_t():
                    pltpu.make_async_copy(tb, oslice(base_t, g - TD), touts[bt]).wait()

                @pl.when(g >= SD)
                def _drain_s():
                    pltpu.make_async_copy(sb, oslice(base_s, g - SD), souts[bs]).wait()

                pltpu.async_copy(tb, oslice(base_t, g), touts[bt])
                pltpu.async_copy(sb, oslice(base_s, g), souts[bs])

                @pl.when(g + TD < n_chunks)
                def _next_in_t():
                    pltpu.async_copy(islice(base_t, g + TD), tbuf.at[bt], tins[bt])

                @pl.when(g + SD < n_chunks)
                def _next_in_s():
                    pltpu.async_copy(islice(base_s, g + SD), shared.at[s, bs], sins[bs])

            return 0

        lax.fori_loop(0, n_chunks // lcm, outer, 0)
        for g in range(n_chunks - TD, n_chunks):
            pltpu.make_async_copy(tbuf.at[g % TD], oslice(base_t, g), touts[g % TD]).wait()
        for g in range(n_chunks - SD, n_chunks):
            pltpu.make_async_copy(shared.at[s, g % SD], oslice(base_s, g), souts[g % SD]).wait()

    return _sc(x)

# --- scband reference (transcript-rebuilt; emitter-appended) ---
"""Pipeline reference for scband-random-do-80539226734848 (READ-ONLY COPY).

The authoritative reference and input builder live on the scoring server;
editing this copy changes nothing except your own understanding.
"""

import jax, jax.numpy as jnp
import numpy as np

PROB_DO = 0.5

def _thing(x):
    # 'thing' submodule: elementwise ReLU applied to the selected rows
    return jax.nn.relu(x)

def setup_inputs(seed: int = 0) -> dict:
    key = jax.random.key(seed)
    x = jax.random.normal(key, (16384, 1024), dtype=jnp.float32)
    return {"x": x}

def reference(x):
    # mask = torch.rand(batch_size) < prob_do
    batch_size = x.shape[0]
    mask = jax.random.uniform(jax.random.key(1), (batch_size,)) < PROB_DO
    # x[mask] = thing(x[mask])  -> boolean-mask gather, transform, scatter-overwrite
    # Faithful functional form: rows where mask is True are replaced by thing(row).
    updated = _thing(x)
    out = jnp.where(mask[:, None], updated, x)
    return out

if __name__ == "__main__":
    import jax
    _d = setup_inputs()
    print(jax.jit(kernel)(*tuple(_d.values())))

</pallas_src>

<mosaic_0001>
#map = affine_map<(d0, d1) -> (0, 0)>
module attributes {stable_mosaic.version = 14 : i64} {
  func.func @_sc(%arg0: i32, %arg1: i32, %arg2: memref<16384x1024xf32, #tpu.memory_space<hbm>>, %arg3: memref<16384x1024xf32, #tpu.memory_space<hbm>>, %arg4: memref<2x16x1024xf32, #tpu.memory_space<vmem>>, %arg5: memref<16x4x16x1024xf32, #tpu.memory_space<vmem_shared>>, %arg6: memref<!tpu.dma_semaphore, #tpu.memory_space<semaphore_mem>>, %arg7: memref<!tpu.dma_semaphore, #tpu.memory_space<semaphore_mem>>, %arg8: memref<!tpu.dma_semaphore, #tpu.memory_space<semaphore_mem>>, %arg9: memref<!tpu.dma_semaphore, #tpu.memory_space<semaphore_mem>>, %arg10: memref<!tpu.dma_semaphore, #tpu.memory_space<semaphore_mem>>, %arg11: memref<!tpu.dma_semaphore, #tpu.memory_space<semaphore_mem>>, %arg12: memref<!tpu.dma_semaphore, #tpu.memory_space<semaphore_mem>>, %arg13: memref<!tpu.dma_semaphore, #tpu.memory_space<semaphore_mem>>, %arg14: memref<!tpu.dma_semaphore, #tpu.memory_space<semaphore_mem>>, %arg15: memref<!tpu.dma_semaphore, #tpu.memory_space<semaphore_mem>>, %arg16: memref<!tpu.dma_semaphore, #tpu.memory_space<semaphore_mem>>, %arg17: memref<!tpu.dma_semaphore, #tpu.memory_space<semaphore_mem>>) attributes {dimension_semantics = [#tpu.dimension_semantics<core_parallel>, #tpu.dimension_semantics<subcore_parallel>], iteration_bounds = array<i64: 2, 16>, scalar_prefetch = 0 : i64, scratch_operands = 14 : i64, tpu.core_type = #tpu.core_type<sc_vector_subcore>, window_params = [{transform_indices = #map}, {transform_indices = #map}]} {
    %mul3A = arith.constant 2 : i32
    %mul3A_0 = arith.muli %arg1, %mul3A : i32
    %add3A = arith.addi %mul3A_0, %arg0 : i32
    %mul3A_1 = arith.constant 512 : i32
    %mul3A_2 = arith.muli %add3A, %mul3A_1 : i32
    %add3A_3 = arith.constant 256 : i32
    %add3A_4 = arith.addi %mul3A_2, %add3A_3 : i32
    %add3A_5 = arith.constant 0 : i32
    %add3A_6 = arith.addi %mul3A_2, %add3A_5 : i32
    %dma_start3A = arith.constant 0 : i32
    %dma_start3A_7 = arith.constant 0 : i32
    %dma_start3A_8 = arith.constant 0 : i32
    %dma_start3A_9 = tpu.memref_slice %arg4[%dma_start3A, %dma_start3A_7, %dma_start3A_8] : memref<2x16x1024xf32, #tpu.memory_space<vmem>> -> memref<1x16x1024xf32, #tpu.memory_space<vmem>>
    %dma_start3A_10 = tpu.memref_squeeze %dma_start3A_9 : memref<1x16x1024xf32, #tpu.memory_space<vmem>> -> memref<16x1024xf32, #tpu.memory_space<vmem>>
    %dma_start3A_11 = arith.constant 0 : i32
    %dma_start3A_12 = tpu.memref_slice %arg2[%add3A_6, %dma_start3A_11] : memref<16384x1024xf32, #tpu.memory_space<hbm>> -> memref<16x1024xf32, #tpu.memory_space<hbm>>
    %dma_start3A_13 = arith.constant 0 : i32
    %dma_start3A_14 = arith.constant 0 : i32
    %dma_start3A_15 = tpu.memref_slice %arg4[%dma_start3A, %dma_start3A_13, %dma_start3A_14] : memref<2x16x1024xf32, #tpu.memory_space<vmem>> -> memref<1x16x1024xf32, #tpu.memory_space<vmem>>
    %dma_start3A_16 = tpu.memref_squeeze %dma_start3A_15 : memref<1x16x1024xf32, #tpu.memory_space<vmem>> -> memref<16x1024xf32, #tpu.memory_space<vmem>>
    %dma_start3A_17 = arith.constant 0 : i32
    %dma_start3A_18 = tpu.memref_slice %arg2[%add3A_6, %dma_start3A_17] : memref<16384x1024xf32, #tpu.memory_space<hbm>> -> memref<16x1024xf32, #tpu.memory_space<hbm>>
    tpu.enqueue_dma source(%dma_start3A_18 : memref<16x1024xf32, #tpu.memory_space<hbm>>) target(%dma_start3A_16 : memref<16x1024xf32, #tpu.memory_space<vmem>>) target_semaphore(%arg6 : memref<!tpu.dma_semaphore, #tpu.memory_space<semaphore_mem>>)
    %add3A_19 = arith.constant 16 : i32
    %add3A_20 = arith.addi %mul3A_2, %add3A_19 : i32
    %dma_start3A_21 = arith.constant 1 : i32
    %dma_start3A_22 = arith.constant 0 : i32
    %dma_start3A_23 = arith.constant 0 : i32
    %dma_start3A_24 = tpu.memref_slice %arg4[%dma_start3A_21, %dma_start3A_22, %dma_start3A_23] : memref<2x16x1024xf32, #tpu.memory_space<vmem>> -> memref<1x16x1024xf32, #tpu.memory_space<vmem>>
    %dma_start3A_25 = tpu.memref_squeeze %dma_start3A_24 : memref<1x16x1024xf32, #tpu.memory_space<vmem>> -> memref<16x1024xf32, #tpu.memory_space<vmem>>
    %dma_start3A_26 = arith.constant 0 : i32
    %dma_start3A_27 = tpu.memref_slice %arg2[%add3A_20, %dma_start3A_26] : memref<16384x1024xf32, #tpu.memory_space<hbm>> -> memref<16x1024xf32, #tpu.memory_space<hbm>>
    %dma_start3A_28 = arith.constant 0 : i32
    %dma_start3A_29 = arith.constant 0 : i32
    %dma_start3A_30 = tpu.memref_slice %arg4[%dma_start3A_21, %dma_start3A_28, %dma_start3A_29] : memref<2x16x1024xf32, #tpu.memory_space<vmem>> -> memref<1x16x1024xf32, #tpu.memory_space<vmem>>
    %dma_start3A_31 = tpu.memref_squeeze %dma_start3A_30 : memref<1x16x1024xf32, #tpu.memory_space<vmem>> -> memref<16x1024xf32, #tpu.memory_space<vmem>>
    %dma_start3A_32 = arith.constant 0 : i32
    %dma_start3A_33 = tpu.memref_slice %arg2[%add3A_20, %dma_start3A_32] : memref<16384x1024xf32, #tpu.memory_space<hbm>> -> memref<16x1024xf32, #tpu.memory_space<hbm>>
    tpu.enqueue_dma source(%dma_start3A_33 : memref<16x1024xf32, #tpu.memory_space<hbm>>) target(%dma_start3A_31 : memref<16x1024xf32, #tpu.memory_space<vmem>>) target_semaphore(%arg7 : memref<!tpu.dma_semaphore, #tpu.memory_space<semaphore_mem>>)
    %add3A_34 = arith.constant 0 : i32
    %add3A_35 = arith.addi %add3A_4, %add3A_34 : i32
    %dma_start3A_36 = arith.constant 0 : i32
    %dma_start3A_37 = arith.constant 0 : i32
    %dma_start3A_38 = arith.constant 0 : i32
    %dma_start3A_39 = tpu.memref_slice %arg5[%arg1, %dma_start3A_36, %dma_start3A_37, %dma_start3A_38] : memref<16x4x16x1024xf32, #tpu.memory_space<vmem_shared>> -> memref<1x1x16x1024xf32, #tpu.memory_space<vmem_shared>>
    %dma_start3A_40 = tpu.memref_squeeze %dma_start3A_39 : memref<1x1x16x1024xf32, #tpu.memory_space<vmem_shared>> -> memref<16x1024xf32, #tpu.memory_space<vmem_shared>>
    %dma_start3A_41 = arith.constant 0 : i32
    %dma_start3A_42 = tpu.memref_slice %arg2[%add3A_35, %dma_start3A_41] : memref<16384x1024xf32, #tpu.memory_space<hbm>> -> memref<16x1024xf32, #tpu.memory_space<hbm>>
    tpu.enqueue_dma source(%dma_start3A_42 : memref<16x1024xf32, #tpu.memory_space<hbm>>) target(%dma_start3A_40 : memref<16x1024xf32, #tpu.memory_space<vmem_shared>>) target_semaphore(%arg10 : memref<!tpu.dma_semaphore, #tpu.memory_space<semaphore_mem>>)
    %add3A_43 = arith.constant 16 : i32
    %add3A_44 = arith.addi %add3A_4, %add3A_43 : i32
    %dma_start3A_45 = arith.constant 1 : i32
    %dma_start3A_46 = arith.constant 0 : i32
    %dma_start3A_47 = arith.constant 0 : i32
    %dma_start3A_48 = tpu.memref_slice %arg5[%arg1, %dma_start3A_45, %dma_start3A_46, %dma_start3A_47] : memref<16x4x16x1024xf32, #tpu.memory_space<vmem_shared>> -> memref<1x1x16x1024xf32, #tpu.memory_space<vmem_shared>>
    %dma_start3A_49 = tpu.memref_squeeze %dma_start3A_48 : memref<1x1x16x1024xf32, #tpu.memory_space<vmem_shared>> -> memref<16x1024xf32, #tpu.memory_space<vmem_shared>>
    %dma_start3A_50 = arith.constant 0 : i32
    %dma_start3A_51 = tpu.memref_slice %arg2[%add3A_44, %dma_start3A_50] : memref<16384x1024xf32, #tpu.memory_space<hbm>> -> memref<16x1024xf32, #tpu.memory_space<hbm>>
    tpu.enqueue_dma source(%dma_start3A_51 : memref<16x1024xf32, #tpu.memory_space<hbm>>) target(%dma_start3A_49 : memref<16x1024xf32, #tpu.memory_space<vmem_shared>>) target_semaphore(%arg11 : memref<!tpu.dma_semaphore, #tpu.memory_space<semaphore_mem>>)
    %add3A_52 = arith.constant 32 : i32
    %add3A_53 = arith.addi %add3A_4, %add3A_52 : i32
    %dma_start3A_54 = arith.constant 2 : i32
    %dma_start3A_55 = arith.constant 0 : i32
    %dma_start3A_56 = arith.constant 0 : i32
    %dma_start3A_57 = tpu.memref_slice %arg5[%arg1, %dma_start3A_54, %dma_start3A_55, %dma_start3A_56] : memref<16x4x16x1024xf32, #tpu.memory_space<vmem_shared>> -> memref<1x1x16x1024xf32, #tpu.memory_space<vmem_shared>>
    %dma_start3A_58 = tpu.memref_squeeze %dma_start3A_57 : memref<1x1x16x1024xf32, #tpu.memory_space<vmem_shared>> -> memref<16x1024xf32, #tpu.memory_space<vmem_shared>>
    %dma_start3A_59 = arith.constant 0 : i32
    %dma_start3A_60 = tpu.memref_slice %arg2[%add3A_53, %dma_start3A_59] : memref<16384x1024xf32, #tpu.memory_space<hbm>> -> memref<16x1024xf32, #tpu.memory_space<hbm>>
    tpu.enqueue_dma source(%dma_start3A_60 : memref<16x1024xf32, #tpu.memory_space<hbm>>) target(%dma_start3A_58 : memref<16x1024xf32, #tpu.memory_space<vmem_shared>>) target_semaphore(%arg12 : memref<!tpu.dma_semaphore, #tpu.memory_space<semaphore_mem>>)
    %add3A_61 = arith.constant 48 : i32
    %add3A_62 = arith.addi %add3A_4, %add3A_61 : i32
    %dma_start3A_63 = arith.constant 3 : i32
    %dma_start3A_64 = arith.constant 0 : i32
    %dma_start3A_65 = arith.constant 0 : i32
    %dma_start3A_66 = tpu.memref_slice %arg5[%arg1, %dma_start3A_63, %dma_start3A_64, %dma_start3A_65] : memref<16x4x16x1024xf32, #tpu.memory_space<vmem_shared>> -> memref<1x1x16x1024xf32, #tpu.memory_space<vmem_shared>>
    %dma_start3A_67 = tpu.memref_squeeze %dma_start3A_66 : memref<1x1x16x1024xf32, #tpu.memory_space<vmem_shared>> -> memref<16x1024xf32, #tpu.memory_space<vmem_shared>>
    %dma_start3A_68 = arith.constant 0 : i32
    %dma_start3A_69 = tpu.memref_slice %arg2[%add3A_62, %dma_start3A_68] : memref<16384x1024xf32, #tpu.memory_space<hbm>> -> memref<16x1024xf32, #tpu.memory_space<hbm>>
    tpu.enqueue_dma source(%dma_start3A_69 : memref<16x1024xf32, #tpu.memory_space<hbm>>) target(%dma_start3A_67 : memref<16x1024xf32, #tpu.memory_space<vmem_shared>>) target_semaphore(%arg13 : memref<!tpu.dma_semaphore, #tpu.memory_space<semaphore_mem>>)
    %scan3A = arith.constant 0 : i32
    %scan3A_70 = arith.constant 0 : i32
    %scan3A_71 = arith.constant 2 : i32
    %scan3A_72 = arith.addi %scan3A_70, %scan3A_71 : i32
    %scan3A_73 = arith.constant 1 : i32
    %scan3A_74 = scf.for %scan3A_141 = %scan3A_70 to %scan3A_72 step %scan3A_73 iter_args(%scan3A_142 = %scan3A) -> (i32)  : i32 {
      %mul3A_143 = arith.constant 8 : i32
      %mul3A_144 = arith.muli %scan3A_141, %mul3A_143 : i32
      %add3A_145 = arith.constant 0 : i32
      %add3A_146 = arith.addi %mul3A_144, %add3A_145 : i32
      %mul3A_147 = arith.constant 16 : i32
      %mul3A_148 = arith.muli %add3A_146, %mul3A_147 : i32
      %add3A_149 = arith.addi %mul3A_2, %mul3A_148 : i32
      %dma_wait3A_150 = arith.constant 0 : i32
      %dma_wait3A_151 = arith.constant 0 : i32
      %dma_wait3A_152 = arith.constant 0 : i32
      %dma_wait3A_153 = tpu.memref_slice %arg4[%dma_wait3A_150, %dma_wait3A_151, %dma_wait3A_152] : memref<2x16x1024xf32, #tpu.memory_space<vmem>> -> memref<1x16x1024xf32, #tpu.memory_space<vmem>>
      %dma_wait3A_154 = tpu.memref_squeeze %dma_wait3A_153 : memref<1x16x1024xf32, #tpu.memory_space<vmem>> -> memref<16x1024xf32, #tpu.memory_space<vmem>>
      %dma_wait3A_155 = arith.constant 0 : i32
      %dma_wait3A_156 = tpu.memref_slice %arg2[%add3A_149, %dma_wait3A_155] : memref<16384x1024xf32, #tpu.memory_space<hbm>> -> memref<16x1024xf32, #tpu.memory_space<hbm>>
      %dma_wait3A_157 = arith.constant 0 : i32
      %dma_wait3A_158 = arith.constant 0 : i32
      %dma_wait3A_159 = tpu.memref_slice %arg4[%dma_wait3A_150, %dma_wait3A_157, %dma_wait3A_158] : memref<2x16x1024xf32, #tpu.memory_space<vmem>> -> memref<1x16x1024xf32, #tpu.memory_space<vmem>>
      %dma_wait3A_160 = tpu.memref_squeeze %dma_wait3A_159 : memref<1x16x1024xf32, #tpu.memory_space<vmem>> -> memref<16x1024xf32, #tpu.memory_space<vmem>>
      %dma_wait3A_161 = arith.constant 0 : i32
      %dma_wait3A_162 = tpu.memref_slice %arg2[%add3A_149, %dma_wait3A_161] : memref<16384x1024xf32, #tpu.memory_space<hbm>> -> memref<16x1024xf32, #tpu.memory_space<hbm>>
      tpu.wait_dma2 semaphore(%arg6 : memref<!tpu.dma_semaphore, #tpu.memory_space<semaphore_mem>>) src(%dma_wait3A_162 : memref<16x1024xf32, #tpu.memory_space<hbm>>) dst(%dma_wait3A_160 : memref<16x1024xf32, #tpu.memory_space<vmem>>)
      %mul3A_163 = arith.constant 16 : i32
      %mul3A_164 = arith.muli %add3A_146, %mul3A_163 : i32
      %add3A_165 = arith.addi %add3A_4, %mul3A_164 : i32
      %dma_wait3A_166 = arith.constant 0 : i32
      %dma_wait3A_167 = arith.constant 0 : i32
      %dma_wait3A_168 = arith.constant 0 : i32
      %dma_wait3A_169 = tpu.memref_slice %arg5[%arg1, %dma_wait3A_166, %dma_wait3A_167, %dma_wait3A_168] : memref<16x4x16x1024xf32, #tpu.memory_space<vmem_shared>> -> memref<1x1x16x1024xf32, #tpu.memory_space<vmem_shared>>
      %dma_wait3A_170 = tpu.memref_squeeze %dma_wait3A_169 : memref<1x1x16x1024xf32, #tpu.memory_space<vmem_shared>> -> memref<16x1024xf32, #tpu.memory_space<vmem_shared>>
      %dma_wait3A_171 = arith.constant 0 : i32
      %dma_wait3A_172 = tpu.memref_slice %arg2[%add3A_165, %dma_wait3A_171] : memref<16384x1024xf32, #tpu.memory_space<hbm>> -> memref<16x1024xf32, #tpu.memory_space<hbm>>
      tpu.wait_dma2 semaphore(%arg10 : memref<!tpu.dma_semaphore, #tpu.memory_space<semaphore_mem>>) src(%dma_wait3A_172 : memref<16x1024xf32, #tpu.memory_space<hbm>>) dst(%dma_wait3A_170 : memref<16x1024xf32, #tpu.memory_space<vmem_shared>>)
      %ge3A = arith.constant 2 : i32
      %ge3A_173 = arith.cmpi sge, %add3A_146, %ge3A : i32
      %convert_element_type3A = arith.extui %ge3A_173 : i1 to i32
      %cond3A = arith.constant 0 : i32
      %cond3A_174 = arith.constant 0 : i32
      %cond3A_175 = arith.cmpi ne, %convert_element_type3A, %cond3A_174 : i32
      scf.if %cond3A_175 {
        %sub3A = arith.constant 2 : i32
        %sub3A_796 = arith.subi %add3A_146, %sub3A : i32
        %mul3A_797 = arith.constant 16 : i32
        %mul3A_798 = arith.muli %sub3A_796, %mul3A_797 : i32
        %add3A_799 = arith.addi %mul3A_2, %mul3A_798 : i32
        %dma_wait3A_800 = arith.constant 0 : i32
        %dma_wait3A_801 = arith.constant 0 : i32
        %dma_wait3A_802 = tpu.memref_slice %arg4[%cond3A, %dma_wait3A_800, %dma_wait3A_801] : memref<2x16x1024xf32, #tpu.memory_space<vmem>> -> memref<1x16x1024xf32, #tpu.memory_space<vmem>>
        %dma_wait3A_803 = tpu.memref_squeeze %dma_wait3A_802 : memref<1x16x1024xf32, #tpu.memory_space<vmem>> -> memref<16x1024xf32, #tpu.memory_space<vmem>>
        %dma_wait3A_804 = arith.constant 0 : i32
        %dma_wait3A_805 = tpu.memref_slice %arg3[%add3A_799, %dma_wait3A_804] : memref<16384x1024xf32, #tpu.memory_space<hbm>> -> memref<16x1024xf32, #tpu.memory_space<hbm>>
        %dma_wait3A_806 = arith.constant 0 : i32
        %dma_wait3A_807 = tpu.memref_slice %arg3[%add3A_799, %dma_wait3A_806] : memref<16384x1024xf32, #tpu.memory_space<hbm>> -> memref<16x1024xf32, #tpu.memory_space<hbm>>
        %dma_wait3A_808 = arith.constant 0 : i32
        %dma_wait3A_809 = arith.constant 0 : i32
        %dma_wait3A_810 = tpu.memref_slice %arg4[%cond3A, %dma_wait3A_808, %dma_wait3A_809] : memref<2x16x1024xf32, #tpu.memory_space<vmem>> -> memref<1x16x1024xf32, #tpu.memory_space<vmem>>
        %dma_wait3A_811 = tpu.memref_squeeze %dma_wait3A_810 : memref<1x16x1024xf32, #tpu.memory_space<vmem>> -> memref<16x1024xf32, #tpu.memory_space<vmem>>
        tpu.wait_dma2 semaphore(%arg8 : memref<!tpu.dma_semaphore, #tpu.memory_space<semaphore_mem>>) src(%dma_wait3A_811 : memref<16x1024xf32, #tpu.memory_space<vmem>>) dst(%dma_wait3A_807 : memref<16x1024xf32, #tpu.memory_space<hbm>>)
      } else {
      }
      %ge3A_176 = arith.constant 4 : i32
      %ge3A_177 = arith.cmpi sge, %add3A_146, %ge3A_176 : i32
      %convert_element_type3A_178 = arith.extui %ge3A_177 : i1 to i32
      %cond3A_179 = arith.constant 0 : i32
      %cond3A_180 = arith.constant 0 : i32
      %cond3A_181 = arith.cmpi ne, %convert_element_type3A_178, %cond3A_180 : i32
      scf.if %cond3A_181 {
        %sub3A = arith.constant 4 : i32
        %sub3A_796 = arith.subi %add3A_146, %sub3A : i32
        %mul3A_797 = arith.constant 16 : i32
        %mul3A_798 = arith.muli %sub3A_796, %mul3A_797 : i32
        %add3A_799 = arith.addi %add3A_4, %mul3A_798 : i32
        %dma_wait3A_800 = arith.constant 0 : i32
        %dma_wait3A_801 = tpu.memref_slice %arg3[%add3A_799, %dma_wait3A_800] : memref<16384x1024xf32, #tpu.memory_space<hbm>> -> memref<16x1024xf32, #tpu.memory_space<hbm>>
        %dma_wait3A_802 = arith.constant 0 : i32
        %dma_wait3A_803 = arith.constant 0 : i32
        %dma_wait3A_804 = tpu.memref_slice %arg5[%arg1, %cond3A_179, %dma_wait3A_802, %dma_wait3A_803] : memref<16x4x16x1024xf32, #tpu.memory_space<vmem_shared>> -> memref<1x1x16x1024xf32, #tpu.memory_space<vmem_shared>>
        %dma_wait3A_805 = tpu.memref_squeeze %dma_wait3A_804 : memref<1x1x16x1024xf32, #tpu.memory_space<vmem_shared>> -> memref<16x1024xf32, #tpu.memory_space<vmem_shared>>
        tpu.wait_dma2 semaphore(%arg14 : memref<!tpu.dma_semaphore, #tpu.memory_space<semaphore_mem>>) src(%dma_wait3A_805 : memref<16x1024xf32, #tpu.memory_space<vmem_shared>>) dst(%dma_wait3A_801 : memref<16x1024xf32, #tpu.memory_space<hbm>>)
      } else {
      }
      %mul3A_182 = arith.constant 16 : i32
      %mul3A_183 = arith.muli %add3A_146, %mul3A_182 : i32
      %add3A_184 = arith.addi %mul3A_2, %mul3A_183 : i32
      %dma_start3A_185 = arith.constant 0 : i32
      %dma_start3A_186 = arith.constant 0 : i32
      %dma_start3A_187 = arith.constant 0 : i32
      %dma_start3A_188 = tpu.memref_slice %arg4[%dma_start3A_185, %dma_start3A_186, %dma_start3A_187] : memref<2x16x1024xf32, #tpu.memory_space<vmem>> -> memref<1x16x1024xf32, #tpu.memory_space<vmem>>
      %dma_start3A_189 = tpu.memref_squeeze %dma_start3A_188 : memref<1x16x1024xf32, #tpu.memory_space<vmem>> -> memref<16x1024xf32, #tpu.memory_space<vmem>>
      %dma_start3A_190 = arith.constant 0 : i32
      %dma_start3A_191 = tpu.memref_slice %arg3[%add3A_184, %dma_start3A_190] : memref<16384x1024xf32, #tpu.memory_space<hbm>> -> memref<16x1024xf32, #tpu.memory_space<hbm>>
      %dma_start3A_192 = arith.constant 0 : i32
      %dma_start3A_193 = tpu.memref_slice %arg3[%add3A_184, %dma_start3A_192] : memref<16384x1024xf32, #tpu.memory_space<hbm>> -> memref<16x1024xf32, #tpu.memory_space<hbm>>
      %dma_start3A_194 = arith.constant 0 : i32
      %dma_start3A_195 = arith.constant 0 : i32
      %dma_start3A_196 = tpu.memref_slice %arg4[%dma_start3A_185, %dma_start3A_194, %dma_start3A_195] : memref<2x16x1024xf32, #tpu.memory_space<vmem>> -> memref<1x16x1024xf32, #tpu.memory_space<vmem>>
      %dma_start3A_197 = tpu.memref_squeeze %dma_start3A_196 : memref<1x16x1024xf32, #tpu.memory_space<vmem>> -> memref<16x1024xf32, #tpu.memory_space<vmem>>
      tpu.enqueue_dma source(%dma_start3A_197 : memref<16x1024xf32, #tpu.memory_space<vmem>>) target(%dma_start3A_193 : memref<16x1024xf32, #tpu.memory_space<hbm>>) target_semaphore(%arg8 : memref<!tpu.dma_semaphore, #tpu.memory_space<semaphore_mem>>)
      %mul3A_198 = arith.constant 16 : i32
      %mul3A_199 = arith.muli %add3A_146, %mul3A_198 : i32
      %add3A_200 = arith.addi %add3A_4, %mul3A_199 : i32
      %dma_start3A_201 = arith.constant 0 : i32
      %dma_start3A_202 = arith.constant 0 : i32
      %dma_start3A_203 = tpu.memref_slice %arg3[%add3A_200, %dma_start3A_202] : memref<16384x1024xf32, #tpu.memory_space<hbm>> -> memref<16x1024xf32, #tpu.memory_space<hbm>>
      %dma_start3A_204 = arith.constant 0 : i32
      %dma_start3A_205 = arith.constant 0 : i32
      %dma_start3A_206 = tpu.memref_slice %arg5[%arg1, %dma_start3A_201, %dma_start3A_204, %dma_start3A_205] : memref<16x4x16x1024xf32, #tpu.memory_space<vmem_shared>> -> memref<1x1x16x1024xf32, #tpu.memory_space<vmem_shared>>
      %dma_start3A_207 = tpu.memref_squeeze %dma_start3A_206 : memref<1x1x16x1024xf32, #tpu.memory_space<vmem_shared>> -> memref<16x1024xf32, #tpu.memory_space<vmem_shared>>
      tpu.enqueue_dma source(%dma_start3A_207 : memref<16x1024xf32, #tpu.memory_space<vmem_shared>>) target(%dma_start3A_203 : memref<16x1024xf32, #tpu.memory_space<hbm>>) target_semaphore(%arg14 : memref<!tpu.dma_semaphore, #tpu.memory_space<semaphore_mem>>)
      %add3A_208 = arith.constant 2 : i32
      %add3A_209 = arith.addi %add3A_146, %add3A_208 : i32
      %lt3A = arith.constant 16 : i32
      %lt3A_210 = arith.cmpi slt, %add3A_209, %lt3A : i32
      %convert_element_type3A_211 = arith.extui %lt3A_210 : i1 to i32
      %cond3A_212 = arith.constant 0 : i32
      %cond3A_213 = arith.cmpi ne, %convert_element_type3A_211, %cond3A_212 : i32
      scf.if %cond3A_213 {
        %add3A_796 = arith.constant 2 : i32
        %add3A_797 = arith.addi %add3A_146, %add3A_796 : i32
        %mul3A_798 = arith.constant 16 : i32
        %mul3A_799 = arith.muli %add3A_797, %mul3A_798 : i32
        %add3A_800 = arith.addi %mul3A_2, %mul3A_799 : i32
        %dma_start3A_801 = arith.constant 0 : i32
        %dma_start3A_802 = arith.constant 0 : i32
        %dma_start3A_803 = arith.constant 0 : i32
        %dma_start3A_804 = tpu.memref_slice %arg4[%dma_start3A_801, %dma_start3A_802, %dma_start3A_803] : memref<2x16x1024xf32, #tpu.memory_space<vmem>> -> memref<1x16x1024xf32, #tpu.memory_space<vmem>>
        %dma_start3A_805 = tpu.memref_squeeze %dma_start3A_804 : memref<1x16x1024xf32, #tpu.memory_space<vmem>> -> memref<16x1024xf32, #tpu.memory_space<vmem>>
        %dma_start3A_806 = arith.constant 0 : i32
        %dma_start3A_807 = tpu.memref_slice %arg2[%add3A_800, %dma_start3A_806] : memref<16384x1024xf32, #tpu.memory_space<hbm>> -> memref<16x1024xf32, #tpu.memory_space<hbm>>
        %dma_start3A_808 = arith.constant 0 : i32
        %dma_start3A_809 = arith.constant 0 : i32
        %dma_start3A_810 = tpu.memref_slice %arg4[%dma_start3A_801, %dma_start3A_808, %dma_start3A_809] : memref<2x16x1024xf32, #tpu.memory_space<vmem>> -> memref<1x16x1024xf32, #tpu.memory_space<vmem>>
        %dma_start3A_811 = tpu.memref_squeeze %dma_start3A_810 : memref<1x16x1024xf32, #tpu.memory_space<vmem>> -> memref<16x1024xf32, #tpu.memory_space<vmem>>
        %dma_start3A_812 = arith.constant 0 : i32
        %dma_start3A_813 = tpu.memref_slice %arg2[%add3A_800, %dma_start3A_812] : memref<16384x1024xf32, #tpu.memory_space<hbm>> -> memref<16x1024xf32, #tpu.memory_space<hbm>>
        tpu.enqueue_dma source(%dma_start3A_813 : memref<16x1024xf32, #tpu.memory_space<hbm>>) target(%dma_start3A_811 : memref<16x1024xf32, #tpu.memory_space<vmem>>) target_semaphore(%arg6 : memref<!tpu.dma_semaphore, #tpu.memory_space<semaphore_mem>>)
      } else {
      }
      %add3A_214 = arith.constant 4 : i32
      %add3A_215 = arith.addi %add3A_146, %add3A_214 : i32
      %lt3A_216 = arith.constant 16 : i32
      %lt3A_217 = arith.cmpi slt, %add3A_215, %lt3A_216 : i32
      %convert_element_type3A_218 = arith.extui %lt3A_217 : i1 to i32
      %cond3A_219 = arith.constant 0 : i32
      %cond3A_220 = arith.cmpi ne, %convert_element_type3A_218, %cond3A_219 : i32
      scf.if %cond3A_220 {
        %add3A_796 = arith.constant 4 : i32
        %add3A_797 = arith.addi %add3A_146, %add3A_796 : i32
        %mul3A_798 = arith.constant 16 : i32
        %mul3A_799 = arith.muli %add3A_797, %mul3A_798 : i32
        %add3A_800 = arith.addi %add3A_4, %mul3A_799 : i32
        %dma_start3A_801 = arith.constant 0 : i32
        %dma_start3A_802 = arith.constant 0 : i32
        %dma_start3A_803 = arith.constant 0 : i32
        %dma_start3A_804 = tpu.memref_slice %arg5[%arg1, %dma_start3A_801, %dma_start3A_802, %dma_start3A_803] : memref<16x4x16x1024xf32, #tpu.memory_space<vmem_shared>> -> memref<1x1x16x1024xf32, #tpu.memory_space<vmem_shared>>
        %dma_start3A_805 = tpu.memref_squeeze %dma_start3A_804 : memref<1x1x16x1024xf32, #tpu.memory_space<vmem_shared>> -> memref<16x1024xf32, #tpu.memory_space<vmem_shared>>
        %dma_start3A_806 = arith.constant 0 : i32
        %dma_start3A_807 = tpu.memref_slice %arg2[%add3A_800, %dma_start3A_806] : memref<16384x1024xf32, #tpu.memory_space<hbm>> -> memref<16x1024xf32, #tpu.memory_space<hbm>>
        tpu.enqueue_dma source(%dma_start3A_807 : memref<16x1024xf32, #tpu.memory_space<hbm>>) target(%dma_start3A_805 : memref<16x1024xf32, #tpu.memory_space<vmem_shared>>) target_semaphore(%arg10 : memref<!tpu.dma_semaphore, #tpu.memory_space<semaphore_mem>>)
      } else {
      }
      %mul3A_221 = arith.constant 8 : i32
      %mul3A_222 = arith.muli %scan3A_141, %mul3A_221 : i32
      %add3A_223 = arith.constant 1 : i32
      %add3A_224 = arith.addi %mul3A_222, %add3A_223 : i32
      %mul3A_225 = arith.constant 16 : i32
      %mul3A_226 = arith.muli %add3A_224, %mul3A_225 : i32
      %add3A_227 = arith.addi %mul3A_2, %mul3A_226 : i32
      %dma_wait3A_228 = arith.constant 1 : i32
      %dma_wait3A_229 = arith.constant 0 : i32
      %dma_wait3A_230 = arith.constant 0 : i32
      %dma_wait3A_231 = tpu.memref_slice %arg4[%dma_wait3A_228, %dma_wait3A_229, %dma_wait3A_230] : memref<2x16x1024xf32, #tpu.memory_space<vmem>> -> memref<1x16x1024xf32, #tpu.memory_space<vmem>>
      %dma_wait3A_232 = tpu.memref_squeeze %dma_wait3A_231 : memref<1x16x1024xf32, #tpu.memory_space<vmem>> -> memref<16x1024xf32, #tpu.memory_space<vmem>>
      %dma_wait3A_233 = arith.constant 0 : i32
      %dma_wait3A_234 = tpu.memref_slice %arg2[%add3A_227, %dma_wait3A_233] : memref<16384x1024xf32, #tpu.memory_space<hbm>> -> memref<16x1024xf32, #tpu.memory_space<hbm>>
      %dma_wait3A_235 = arith.constant 0 : i32
      %dma_wait3A_236 = arith.constant 0 : i32
      %dma_wait3A_237 = tpu.memref_slice %arg4[%dma_wait3A_228, %dma_wait3A_235, %dma_wait3A_236] : memref<2x16x1024xf32, #tpu.memory_space<vmem>> -> memref<1x16x1024xf32, #tpu.memory_space<vmem>>
      %dma_wait3A_238 = tpu.memref_squeeze %dma_wait3A_237 : memref<1x16x1024xf32, #tpu.memory_space<vmem>> -> memref<16x1024xf32, #tpu.memory_space<vmem>>
      %dma_wait3A_239 = arith.constant 0 : i32
      %dma_wait3A_240 = tpu.memref_slice %arg2[%add3A_227, %dma_wait3A_239] : memref<16384x1024xf32, #tpu.memory_space<hbm>> -> memref<16x1024xf32, #tpu.memory_space<hbm>>
      tpu.wait_dma2 semaphore(%arg7 : memref<!tpu.dma_semaphore, #tpu.memory_space<semaphore_mem>>) src(%dma_wait3A_240 : memref<16x1024xf32, #tpu.memory_space<hbm>>) dst(%dma_wait3A_238 : memref<16x1024xf32, #tpu.memory_space<vmem>>)
      %mul3A_241 = arith.constant 16 : i32
      %mul3A_242 = arith.muli %add3A_224, %mul3A_241 : i32
      %add3A_243 = arith.addi %add3A_4, %mul3A_242 : i32
      %dma_wait3A_244 = arith.constant 1 : i32
      %dma_wait3A_245 = arith.constant 0 : i32
      %dma_wait3A_246 = arith.constant 0 : i32
      %dma_wait3A_247 = tpu.memref_slice %arg5[%arg1, %dma_wait3A_244, %dma_wait3A_245, %dma_wait3A_246] : memref<16x4x16x1024xf32, #tpu.memory_space<vmem_shared>> -> memref<1x1x16x1024xf32, #tpu.memory_space<vmem_shared>>
      %dma_wait3A_248 = tpu.memref_squeeze %dma_wait3A_247 : memref<1x1x16x1024xf32, #tpu.memory_space<vmem_shared>> -> memref<16x1024xf32, #tpu.memory_space<vmem_shared>>
      %dma_wait3A_249 = arith.constant 0 : i32
      %dma_wait3A_250 = tpu.memref_slice %arg2[%add3A_243, %dma_wait3A_249] : memref<16384x1024xf32, #tpu.memory_space<hbm>> -> memref<16x1024xf32, #tpu.memory_space<hbm>>
      tpu.wait_dma2 semaphore(%arg11 : memref<!tpu.dma_semaphore, #tpu.memory_space<semaphore_mem>>) src(%dma_wait3A_250 : memref<16x1024xf32, #tpu.memory_space<hbm>>) dst(%dma_wait3A_248 : memref<16x1024xf32, #tpu.memory_space<vmem_shared>>)
      %ge3A_251 = arith.constant 2 : i32
      %ge3A_252 = arith.cmpi sge, %add3A_224, %ge3A_251 : i32
      %convert_element_type3A_253 = arith.extui %ge3A_252 : i1 to i32
      %cond3A_254 = arith.constant 1 : i32
      %cond3A_255 = arith.constant 0 : i32
      %cond3A_256 = arith.cmpi ne, %convert_element_type3A_253, %cond3A_255 : i32
      scf.if %cond3A_256 {
        %sub3A = arith.constant 2 : i32
        %sub3A_796 = arith.subi %add3A_224, %sub3A : i32
        %mul3A_797 = arith.constant 16 : i32
        %mul3A_798 = arith.muli %sub3A_796, %mul3A_797 : i32
        %add3A_799 = arith.addi %mul3A_2, %mul3A_798 : i32
        %dma_wait3A_800 = arith.constant 0 : i32
        %dma_wait3A_801 = arith.constant 0 : i32
        %dma_wait3A_802 = tpu.memref_slice %arg4[%cond3A_254, %dma_wait3A_800, %dma_wait3A_801] : memref<2x16x1024xf32, #tpu.memory_space<vmem>> -> memref<1x16x1024xf32, #tpu.memory_space<vmem>>
        %dma_wait3A_803 = tpu.memref_squeeze %dma_wait3A_802 : memref<1x16x1024xf32, #tpu.memory_space<vmem>> -> memref<16x1024xf32, #tpu.memory_space<vmem>>
        %dma_wait3A_804 = arith.constant 0 : i32
        %dma_wait3A_805 = tpu.memref_slice %arg3[%add3A_799, %dma_wait3A_804] : memref<16384x1024xf32, #tpu.memory_space<hbm>> -> memref<16x1024xf32, #tpu.memory_space<hbm>>
        %dma_wait3A_806 = arith.constant 0 : i32
        %dma_wait3A_807 = tpu.memref_slice %arg3[%add3A_799, %dma_wait3A_806] : memref<16384x1024xf32, #tpu.memory_space<hbm>> -> memref<16x1024xf32, #tpu.memory_space<hbm>>
        %dma_wait3A_808 = arith.constant 0 : i32
        %dma_wait3A_809 = arith.constant 0 : i32
        %dma_wait3A_810 = tpu.memref_slice %arg4[%cond3A_254, %dma_wait3A_808, %dma_wait3A_809] : memref<2x16x1024xf32, #tpu.memory_space<vmem>> -> memref<1x16x1024xf32, #tpu.memory_space<vmem>>
        %dma_wait3A_811 = tpu.memref_squeeze %dma_wait3A_810 : memref<1x16x1024xf32, #tpu.memory_space<vmem>> -> memref<16x1024xf32, #tpu.memory_space<vmem>>
        tpu.wait_dma2 semaphore(%arg9 : memref<!tpu.dma_semaphore, #tpu.memory_space<semaphore_mem>>) src(%dma_wait3A_811 : memref<16x1024xf32, #tpu.memory_space<vmem>>) dst(%dma_wait3A_807 : memref<16x1024xf32, #tpu.memory_space<hbm>>)
      } else {
      }
      %ge3A_257 = arith.constant 4 : i32
      %ge3A_258 = arith.cmpi sge, %add3A_224, %ge3A_257 : i32
      %convert_element_type3A_259 = arith.extui %ge3A_258 : i1 to i32
      %cond3A_260 = arith.constant 1 : i32
      %cond3A_261 = arith.constant 0 : i32
      %cond3A_262 = arith.cmpi ne, %convert_element_type3A_259, %cond3A_261 : i32
      scf.if %cond3A_262 {
        %sub3A = arith.constant 4 : i32
        %sub3A_796 = arith.subi %add3A_224, %sub3A : i32
        %mul3A_797 = arith.constant 16 : i32
        %mul3A_798 = arith.muli %sub3A_796, %mul3A_797 : i32
        %add3A_799 = arith.addi %add3A_4, %mul3A_798 : i32
        %dma_wait3A_800 = arith.constant 0 : i32
        %dma_wait3A_801 = tpu.memref_slice %arg3[%add3A_799, %dma_wait3A_800] : memref<16384x1024xf32, #tpu.memory_space<hbm>> -> memref<16x1024xf32, #tpu.memory_space<hbm>>
        %dma_wait3A_802 = arith.constant 0 : i32
        %dma_wait3A_803 = arith.constant 0 : i32
        %dma_wait3A_804 = tpu.memref_slice %arg5[%arg1, %cond3A_260, %dma_wait3A_802, %dma_wait3A_803] : memref<16x4x16x1024xf32, #tpu.memory_space<vmem_shared>> -> memref<1x1x16x1024xf32, #tpu.memory_space<vmem_shared>>
        %dma_wait3A_805 = tpu.memref_squeeze %dma_wait3A_804 : memref<1x1x16x1024xf32, #tpu.memory_space<vmem_shared>> -> memref<16x1024xf32, #tpu.memory_space<vmem_shared>>
        tpu.wait_dma2 semaphore(%arg15 : memref<!tpu.dma_semaphore, #tpu.memory_space<semaphore_mem>>) src(%dma_wait3A_805 : memref<16x1024xf32, #tpu.memory_space<vmem_shared>>) dst(%dma_wait3A_801 : memref<16x1024xf32, #tpu.memory_space<hbm>>)
      } else {
      }
      %mul3A_263 = arith.constant 16 : i32
      %mul3A_264 = arith.muli %add3A_224, %mul3A_263 : i32
      %add3A_265 = arith.addi %mul3A_2, %mul3A_264 : i32
      %dma_start3A_266 = arith.constant 1 : i32
      %dma_start3A_267 = arith.constant 0 : i32
      %dma_start3A_268 = arith.constant 0 : i32
      %dma_start3A_269 = tpu.memref_slice %arg4[%dma_start3A_266, %dma_start3A_267, %dma_start3A_268] : memref<2x16x1024xf32, #tpu.memory_space<vmem>> -> memref<1x16x1024xf32, #tpu.memory_space<vmem>>
      %dma_start3A_270 = tpu.memref_squeeze %dma_start3A_269 : memref<1x16x1024xf32, #tpu.memory_space<vmem>> -> memref<16x1024xf32, #tpu.memory_space<vmem>>
      %dma_start3A_271 = arith.constant 0 : i32
      %dma_start3A_272 = tpu.memref_slice %arg3[%add3A_265, %dma_start3A_271] : memref<16384x1024xf32, #tpu.memory_space<hbm>> -> memref<16x1024xf32, #tpu.memory_space<hbm>>
      %dma_start3A_273 = arith.constant 0 : i32
      %dma_start3A_274 = tpu.memref_slice %arg3[%add3A_265, %dma_start3A_273] : memref<16384x1024xf32, #tpu.memory_space<hbm>> -> memref<16x1024xf32, #tpu.memory_space<hbm>>
      %dma_start3A_275 = arith.constant 0 : i32
      %dma_start3A_276 = arith.constant 0 : i32
      %dma_start3A_277 = tpu.memref_slice %arg4[%dma_start3A_266, %dma_start3A_275, %dma_start3A_276] : memref<2x16x1024xf32, #tpu.memory_space<vmem>> -> memref<1x16x1024xf32, #tpu.memory_space<vmem>>
      %dma_start3A_278 = tpu.memref_squeeze %dma_start3A_277 : memref<1x16x1024xf32, #tpu.memory_space<vmem>> -> memref<16x1024xf32, #tpu.memory_space<vmem>>
      tpu.enqueue_dma source(%dma_start3A_278 : memref<16x1024xf32, #tpu.memory_space<vmem>>) target(%dma_start3A_274 : memref<16x1024xf32, #tpu.memory_space<hbm>>) target_semaphore(%arg9 : memref<!tpu.dma_semaphore, #tpu.memory_space<semaphore_mem>>)
      %mul3A_279 = arith.constant 16 : i32
      %mul3A_280 = arith.muli %add3A_224, %mul3A_279 : i32
      %add3A_281 = arith.addi %add3A_4, %mul3A_280 : i32
      %dma_start3A_282 = arith.constant 1 : i32
      %dma_start3A_283 = arith.constant 0 : i32
      %dma_start3A_284 = tpu.memref_slice %arg3[%add3A_281, %dma_start3A_283] : memref<16384x1024xf32, #tpu.memory_space<hbm>> -> memref<16x1024xf32, #tpu.memory_space<hbm>>
      %dma_start3A_285 = arith.constant 0 : i32
      %dma_start3A_286 = arith.constant 0 : i32
      %dma_start3A_287 = tpu.memref_slice %arg5[%arg1, %dma_start3A_282, %dma_start3A_285, %dma_start3A_286] : memref<16x4x16x1024xf32, #tpu.memory_space<vmem_shared>> -> memref<1x1x16x1024xf32, #tpu.memory_space<vmem_shared>>
      %dma_start3A_288 = tpu.memref_squeeze %dma_start3A_287 : memref<1x1x16x1024xf32, #tpu.memory_space<vmem_shared>> -> memref<16x1024xf32, #tpu.memory_space<vmem_shared>>
      tpu.enqueue_dma source(%dma_start3A_288 : memref<16x1024xf32, #tpu.memory_space<vmem_shared>>) target(%dma_start3A_284 : memref<16x1024xf32, #tpu.memory_space<hbm>>) target_semaphore(%arg15 : memref<!tpu.dma_semaphore, #tpu.memory_space<semaphore_mem>>)
      %add3A_289 = arith.constant 2 : i32
      %add3A_290 = arith.addi %add3A_224, %add3A_289 : i32
      %lt3A_291 = arith.constant 16 : i32
      %lt3A_292 = arith.cmpi slt, %add3A_290, %lt3A_291 : i32
      %convert_element_type3A_293 = arith.extui %lt3A_292 : i1 to i32
      %cond3A_294 = arith.constant 0 : i32
      %cond3A_295 = arith.cmpi ne, %convert_element_type3A_293, %cond3A_294 : i32
      scf.if %cond3A_295 {
        %add3A_796 = arith.constant 2 : i32
        %add3A_797 = arith.addi %add3A_224, %add3A_796 : i32
        %mul3A_798 = arith.constant 16 : i32
        %mul3A_799 = arith.muli %add3A_797, %mul3A_798 : i32
        %add3A_800 = arith.addi %mul3A_2, %mul3A_799 : i32
        %dma_start3A_801 = arith.constant 1 : i32
        %dma_start3A_802 = arith.constant 0 : i32
        %dma_start3A_803 = arith.constant 0 : i32
        %dma_start3A_804 = tpu.memref_slice %arg4[%dma_start3A_801, %dma_start3A_802, %dma_start3A_803] : memref<2x16x1024xf32, #tpu.memory_space<vmem>> -> memref<1x16x1024xf32, #tpu.memory_space<vmem>>
        %dma_start3A_805 = tpu.memref_squeeze %dma_start3A_804 : memref<1x16x1024xf32, #tpu.memory_space<vmem>> -> memref<16x1024xf32, #tpu.memory_space<vmem>>
        %dma_start3A_806 = arith.constant 0 : i32
        %dma_start3A_807 = tpu.memref_slice %arg2[%add3A_800, %dma_start3A_806] : memref<16384x1024xf32, #tpu.memory_space<hbm>> -> memref<16x1024xf32, #tpu.memory_space<hbm>>
        %dma_start3A_808 = arith.constant 0 : i32
        %dma_start3A_809 = arith.constant 0 : i32
        %dma_start3A_810 = tpu.memref_slice %arg4[%dma_start3A_801, %dma_start3A_808, %dma_start3A_809] : memref<2x16x1024xf32, #tpu.memory_space<vmem>> -> memref<1x16x1024xf32, #tpu.memory_space<vmem>>
        %dma_start3A_811 = tpu.memref_squeeze %dma_start3A_810 : memref<1x16x1024xf32, #tpu.memory_space<vmem>> -> memref<16x1024xf32, #tpu.memory_space<vmem>>
        %dma_start3A_812 = arith.constant 0 : i32
        %dma_start3A_813 = tpu.memref_slice %arg2[%add3A_800, %dma_start3A_812] : memref<16384x1024xf32, #tpu.memory_space<hbm>> -> memref<16x1024xf32, #tpu.memory_space<hbm>>
        tpu.enqueue_dma source(%dma_start3A_813 : memref<16x1024xf32, #tpu.memory_space<hbm>>) target(%dma_start3A_811 : memref<16x1024xf32, #tpu.memory_space<vmem>>) target_semaphore(%arg7 : memref<!tpu.dma_semaphore, #tpu.memory_space<semaphore_mem>>)
      } else {
      }
      %add3A_296 = arith.constant 4 : i32
      %add3A_297 = arith.addi %add3A_224, %add3A_296 : i32
      %lt3A_298 = arith.constant 16 : i32
      %lt3A_299 = arith.cmpi slt, %add3A_297, %lt3A_298 : i32
      %convert_element_type3A_300 = arith.extui %lt3A_299 : i1 to i32
      %cond3A_301 = arith.constant 0 : i32
      %cond3A_302 = arith.cmpi ne, %convert_element_type3A_300, %cond3A_301 : i32
      scf.if %cond3A_302 {
        %add3A_796 = arith.constant 4 : i32
        %add3A_797 = arith.addi %add3A_224, %add3A_796 : i32
        %mul3A_798 = arith.constant 16 : i32
        %mul3A_799 = arith.muli %add3A_797, %mul3A_798 : i32
        %add3A_800 = arith.addi %add3A_4, %mul3A_799 : i32
        %dma_start3A_801 = arith.constant 1 : i32
        %dma_start3A_802 = arith.constant 0 : i32
        %dma_start3A_803 = arith.constant 0 : i32
        %dma_start3A_804 = tpu.memref_slice %arg5[%arg1, %dma_start3A_801, %dma_start3A_802, %dma_start3A_803] : memref<16x4x16x1024xf32, #tpu.memory_space<vmem_shared>> -> memref<1x1x16x1024xf32, #tpu.memory_space<vmem_shared>>
        %dma_start3A_805 = tpu.memref_squeeze %dma_start3A_804 : memref<1x1x16x1024xf32, #tpu.memory_space<vmem_shared>> -> memref<16x1024xf32, #tpu.memory_space<vmem_shared>>
        %dma_start3A_806 = arith.constant 0 : i32
        %dma_start3A_807 = tpu.memref_slice %arg2[%add3A_800, %dma_start3A_806] : memref<16384x1024xf32, #tpu.memory_space<hbm>> -> memref<16x1024xf32, #tpu.memory_space<hbm>>
        tpu.enqueue_dma source(%dma_start3A_807 : memref<16x1024xf32, #tpu.memory_space<hbm>>) target(%dma_start3A_805 : memref<16x1024xf32, #tpu.memory_space<vmem_shared>>) target_semaphore(%arg11 : memref<!tpu.dma_semaphore, #tpu.memory_space<semaphore_mem>>)
      } else {
      }
      %mul3A_303 = arith.constant 8 : i32
      %mul3A_304 = arith.muli %scan3A_141, %mul3A_303 : i32
      %add3A_305 = arith.constant 2 : i32
      %add3A_306 = arith.addi %mul3A_304, %add3A_305 : i32
      %mul3A_307 = arith.constant 16 : i32
      %mul3A_308 = arith.muli %add3A_306, %mul3A_307 : i32
      %add3A_309 = arith.addi %mul3A_2, %mul3A_308 : i32
      %dma_wait3A_310 = arith.constant 0 : i32
      %dma_wait3A_311 = arith.constant 0 : i32
      %dma_wait3A_312 = arith.constant 0 : i32
      %dma_wait3A_313 = tpu.memref_slice %arg4[%dma_wait3A_310, %dma_wait3A_311, %dma_wait3A_312] : memref<2x16x1024xf32, #tpu.memory_space<vmem>> -> memref<1x16x1024xf32, #tpu.memory_space<vmem>>
      %dma_wait3A_314 = tpu.memref_squeeze %dma_wait3A_313 : memref<1x16x1024xf32, #tpu.memory_space<vmem>> -> memref<16x1024xf32, #tpu.memory_space<vmem>>
      %dma_wait3A_315 = arith.constant 0 : i32
      %dma_wait3A_316 = tpu.memref_slice %arg2[%add3A_309, %dma_wait3A_315] : memref<16384x1024xf32, #tpu.memory_space<hbm>> -> memref<16x1024xf32, #tpu.memory_space<hbm>>
      %dma_wait3A_317 = arith.constant 0 : i32
      %dma_wait3A_318 = arith.constant 0 : i32
      %dma_wait3A_319 = tpu.memref_slice %arg4[%dma_wait3A_310, %dma_wait3A_317, %dma_wait3A_318] : memref<2x16x1024xf32, #tpu.memory_space<vmem>> -> memref<1x16x1024xf32, #tpu.memory_space<vmem>>
      %dma_wait3A_320 = tpu.memref_squeeze %dma_wait3A_319 : memref<1x16x1024xf32, #tpu.memory_space<vmem>> -> memref<16x1024xf32, #tpu.memory_space<vmem>>
      %dma_wait3A_321 = arith.constant 0 : i32
      %dma_wait3A_322 = tpu.memref_slice %arg2[%add3A_309, %dma_wait3A_321] : memref<16384x1024xf32, #tpu.memory_space<hbm>> -> memref<16x1024xf32, #tpu.memory_space<hbm>>
      tpu.wait_dma2 semaphore(%arg6 : memref<!tpu.dma_semaphore, #tpu.memory_space<semaphore_mem>>) src(%dma_wait3A_322 : memref<16x1024xf32, #tpu.memory_space<hbm>>) dst(%dma_wait3A_320 : memref<16x1024xf32, #tpu.memory_space<vmem>>)
      %mul3A_323 = arith.constant 16 : i32
      %mul3A_324 = arith.muli %add3A_306, %mul3A_323 : i32
      %add3A_325 = arith.addi %add3A_4, %mul3A_324 : i32
      %dma_wait3A_326 = arith.constant 2 : i32
      %dma_wait3A_327 = arith.constant 0 : i32
      %dma_wait3A_328 = arith.constant 0 : i32
      %dma_wait3A_329 = tpu.memref_slice %arg5[%arg1, %dma_wait3A_326, %dma_wait3A_327, %dma_wait3A_328] : memref<16x4x16x1024xf32, #tpu.memory_space<vmem_shared>> -> memref<1x1x16x1024xf32, #tpu.memory_space<vmem_shared>>
      %dma_wait3A_330 = tpu.memref_squeeze %dma_wait3A_329 : memref<1x1x16x1024xf32, #tpu.memory_space<vmem_shared>> -> memref<16x1024xf32, #tpu.memory_space<vmem_shared>>
      %dma_wait3A_331 = arith.constant 0 : i32
      %dma_wait3A_332 = tpu.memref_slice %arg2[%add3A_325, %dma_wait3A_331] : memref<16384x1024xf32, #tpu.memory_space<hbm>> -> memref<16x1024xf32, #tpu.memory_space<hbm>>
      tpu.wait_dma2 semaphore(%arg12 : memref<!tpu.dma_semaphore, #tpu.memory_space<semaphore_mem>>) src(%dma_wait3A_332 : memref<16x1024xf32, #tpu.memory_space<hbm>>) dst(%dma_wait3A_330 : memref<16x1024xf32, #tpu.memory_space<vmem_shared>>)
      %ge3A_333 = arith.constant 2 : i32
      %ge3A_334 = arith.cmpi sge, %add3A_306, %ge3A_333 : i32
      %convert_element_type3A_335 = arith.extui %ge3A_334 : i1 to i32
      %cond3A_336 = arith.constant 0 : i32
      %cond3A_337 = arith.constant 0 : i32
      %cond3A_338 = arith.cmpi ne, %convert_element_type3A_335, %cond3A_337 : i32
      scf.if %cond3A_338 {
        %sub3A = arith.constant 2 : i32
        %sub3A_796 = arith.subi %add3A_306, %sub3A : i32
        %mul3A_797 = arith.constant 16 : i32
        %mul3A_798 = arith.muli %sub3A_796, %mul3A_797 : i32
        %add3A_799 = arith.addi %mul3A_2, %mul3A_798 : i32
        %dma_wait3A_800 = arith.constant 0 : i32
        %dma_wait3A_801 = arith.constant 0 : i32
        %dma_wait3A_802 = tpu.memref_slice %arg4[%cond3A_336, %dma_wait3A_800, %dma_wait3A_801] : memref<2x16x1024xf32, #tpu.memory_space<vmem>> -> memref<1x16x1024xf32, #tpu.memory_space<vmem>>
        %dma_wait3A_803 = tpu.memref_squeeze %dma_wait3A_802 : memref<1x16x1024xf32, #tpu.memory_space<vmem>> -> memref<16x1024xf32, #tpu.memory_space<vmem>>
        %dma_wait3A_804 = arith.constant 0 : i32
        %dma_wait3A_805 = tpu.memref_slice %arg3[%add3A_799, %dma_wait3A_804] : memref<16384x1024xf32, #tpu.memory_space<hbm>> -> memref<16x1024xf32, #tpu.memory_space<hbm>>
        %dma_wait3A_806 = arith.constant 0 : i32
        %dma_wait3A_807 = tpu.memref_slice %arg3[%add3A_799, %dma_wait3A_806] : memref<16384x1024xf32, #tpu.memory_space<hbm>> -> memref<16x1024xf32, #tpu.memory_space<hbm>>
        %dma_wait3A_808 = arith.constant 0 : i32
        %dma_wait3A_809 = arith.constant 0 : i32
        %dma_wait3A_810 = tpu.memref_slice %arg4[%cond3A_336, %dma_wait3A_808, %dma_wait3A_809] : memref<2x16x1024xf32, #tpu.memory_space<vmem>> -> memref<1x16x1024xf32, #tpu.memory_space<vmem>>
        %dma_wait3A_811 = tpu.memref_squeeze %dma_wait3A_810 : memref<1x16x1024xf32, #tpu.memory_space<vmem>> -> memref<16x1024xf32, #tpu.memory_space<vmem>>
        tpu.wait_dma2 semaphore(%arg8 : memref<!tpu.dma_semaphore, #tpu.memory_space<semaphore_mem>>) src(%dma_wait3A_811 : memref<16x1024xf32, #tpu.memory_space<vmem>>) dst(%dma_wait3A_807 : memref<16x1024xf32, #tpu.memory_space<hbm>>)
      } else {
      }
      %ge3A_339 = arith.constant 4 : i32
      %ge3A_340 = arith.cmpi sge, %add3A_306, %ge3A_339 : i32
      %convert_element_type3A_341 = arith.extui %ge3A_340 : i1 to i32
      %cond3A_342 = arith.constant 2 : i32
      %cond3A_343 = arith.constant 0 : i32
      %cond3A_344 = arith.cmpi ne, %convert_element_type3A_341, %cond3A_343 : i32
      scf.if %cond3A_344 {
        %sub3A = arith.constant 4 : i32
        %sub3A_796 = arith.subi %add3A_306, %sub3A : i32
        %mul3A_797 = arith.constant 16 : i32
        %mul3A_798 = arith.muli %sub3A_796, %mul3A_797 : i32
        %add3A_799 = arith.addi %add3A_4, %mul3A_798 : i32
        %dma_wait3A_800 = arith.constant 0 : i32
        %dma_wait3A_801 = tpu.memref_slice %arg3[%add3A_799, %dma_wait3A_800] : memref<16384x1024xf32, #tpu.memory_space<hbm>> -> memref<16x1024xf32, #tpu.memory_space<hbm>>
        %dma_wait3A_802 = arith.constant 0 : i32
        %dma_wait3A_803 = arith.constant 0 : i32
        %dma_wait3A_804 = tpu.memref_slice %arg5[%arg1, %cond3A_342, %dma_wait3A_802, %dma_wait3A_803] : memref<16x4x16x1024xf32, #tpu.memory_space<vmem_shared>> -> memref<1x1x16x1024xf32, #tpu.memory_space<vmem_shared>>
        %dma_wait3A_805 = tpu.memref_squeeze %dma_wait3A_804 : memref<1x1x16x1024xf32, #tpu.memory_space<vmem_shared>> -> memref<16x1024xf32, #tpu.memory_space<vmem_shared>>
        tpu.wait_dma2 semaphore(%arg16 : memref<!tpu.dma_semaphore, #tpu.memory_space<semaphore_mem>>) src(%dma_wait3A_805 : memref<16x1024xf32, #tpu.memory_space<vmem_shared>>) dst(%dma_wait3A_801 : memref<16x1024xf32, #tpu.memory_space<hbm>>)
      } else {
      }
      %mul3A_345 = arith.constant 16 : i32
      %mul3A_346 = arith.muli %add3A_306, %mul3A_345 : i32
      %add3A_347 = arith.addi %mul3A_2, %mul3A_346 : i32
      %dma_start3A_348 = arith.constant 0 : i32
      %dma_start3A_349 = arith.constant 0 : i32
      %dma_start3A_350 = arith.constant 0 : i32
      %dma_start3A_351 = tpu.memref_slice %arg4[%dma_start3A_348, %dma_start3A_349, %dma_start3A_350] : memref<2x16x1024xf32, #tpu.memory_space<vmem>> -> memref<1x16x1024xf32, #tpu.memory_space<vmem>>
      %dma_start3A_352 = tpu.memref_squeeze %dma_start3A_351 : memref<1x16x1024xf32, #tpu.memory_space<vmem>> -> memref<16x1024xf32, #tpu.memory_space<vmem>>
      %dma_start3A_353 = arith.constant 0 : i32
      %dma_start3A_354 = tpu.memref_slice %arg3[%add3A_347, %dma_start3A_353] : memref<16384x1024xf32, #tpu.memory_space<hbm>> -> memref<16x1024xf32, #tpu.memory_space<hbm>>
      %dma_start3A_355 = arith.constant 0 : i32
      %dma_start3A_356 = tpu.memref_slice %arg3[%add3A_347, %dma_start3A_355] : memref<16384x1024xf32, #tpu.memory_space<hbm>> -> memref<16x1024xf32, #tpu.memory_space<hbm>>
      %dma_start3A_357 = arith.constant 0 : i32
      %dma_start3A_358 = arith.constant 0 : i32
      %dma_start3A_359 = tpu.memref_slice %arg4[%dma_start3A_348, %dma_start3A_357, %dma_start3A_358] : memref<2x16x1024xf32, #tpu.memory_space<vmem>> -> memref<1x16x1024xf32, #tpu.memory_space<vmem>>
      %dma_start3A_360 = tpu.memref_squeeze %dma_start3A_359 : memref<1x16x1024xf32, #tpu.memory_space<vmem>> -> memref<16x1024xf32, #tpu.memory_space<vmem>>
      tpu.enqueue_dma source(%dma_start3A_360 : memref<16x1024xf32, #tpu.memory_space<vmem>>) target(%dma_start3A_356 : memref<16x1024xf32, #tpu.memory_space<hbm>>) target_semaphore(%arg8 : memref<!tpu.dma_semaphore, #tpu.memory_space<semaphore_mem>>)
      %mul3A_361 = arith.constant 16 : i32
      %mul3A_362 = arith.muli %add3A_306, %mul3A_361 : i32
      %add3A_363 = arith.addi %add3A_4, %mul3A_362 : i32
      %dma_start3A_364 = arith.constant 2 : i32
      %dma_start3A_365 = arith.constant 0 : i32
      %dma_start3A_366 = tpu.memref_slice %arg3[%add3A_363, %dma_start3A_365] : memref<16384x1024xf32, #tpu.memory_space<hbm>> -> memref<16x1024xf32, #tpu.memory_space<hbm>>
      %dma_start3A_367 = arith.constant 0 : i32
      %dma_start3A_368 = arith.constant 0 : i32
      %dma_start3A_369 = tpu.memref_slice %arg5[%arg1, %dma_start3A_364, %dma_start3A_367, %dma_start3A_368] : memref<16x4x16x1024xf32, #tpu.memory_space<vmem_shared>> -> memref<1x1x16x1024xf32, #tpu.memory_space<vmem_shared>>
      %dma_start3A_370 = tpu.memref_squeeze %dma_start3A_369 : memref<1x1x16x1024xf32, #tpu.memory_space<vmem_shared>> -> memref<16x1024xf32, #tpu.memory_space<vmem_shared>>
      tpu.enqueue_dma source(%dma_start3A_370 : memref<16x1024xf32, #tpu.memory_space<vmem_shared>>) target(%dma_start3A_366 : memref<16x1024xf32, #tpu.memory_space<hbm>>) target_semaphore(%arg16 : memref<!tpu.dma_semaphore, #tpu.memory_space<semaphore_mem>>)
      %add3A_371 = arith.constant 2 : i32
      %add3A_372 = arith.addi %add3A_306, %add3A_371 : i32
      %lt3A_373 = arith.constant 16 : i32
      %lt3A_374 = arith.cmpi slt, %add3A_372, %lt3A_373 : i32
      %convert_element_type3A_375 = arith.extui %lt3A_374 : i1 to i32
      %cond3A_376 = arith.constant 0 : i32
      %cond3A_377 = arith.cmpi ne, %convert_element_type3A_375, %cond3A_376 : i32
      scf.if %cond3A_377 {
        %add3A_796 = arith.constant 2 : i32
        %add3A_797 = arith.addi %add3A_306, %add3A_796 : i32
        %mul3A_798 = arith.constant 16 : i32
        %mul3A_799 = arith.muli %add3A_797, %mul3A_798 : i32
        %add3A_800 = arith.addi %mul3A_2, %mul3A_799 : i32
        %dma_start3A_801 = arith.constant 0 : i32
        %dma_start3A_802 = arith.constant 0 : i32
        %dma_start3A_803 = arith.constant 0 : i32
        %dma_start3A_804 = tpu.memref_slice %arg4[%dma_start3A_801, %dma_start3A_802, %dma_start3A_803] : memref<2x16x1024xf32, #tpu.memory_space<vmem>> -> memref<1x16x1024xf32, #tpu.memory_space<vmem>>
        %dma_start3A_805 = tpu.memref_squeeze %dma_start3A_804 : memref<1x16x1024xf32, #tpu.memory_space<vmem>> -> memref<16x1024xf32, #tpu.memory_space<vmem>>
        %dma_start3A_806 = arith.constant 0 : i32
        %dma_start3A_807 = tpu.memref_slice %arg2[%add3A_800, %dma_start3A_806] : memref<16384x1024xf32, #tpu.memory_space<hbm>> -> memref<16x1024xf32, #tpu.memory_space<hbm>>
        %dma_start3A_808 = arith.constant 0 : i32
        %dma_start3A_809 = arith.constant 0 : i32
        %dma_start3A_810 = tpu.memref_slice %arg4[%dma_start3A_801, %dma_start3A_808, %dma_start3A_809] : memref<2x16x1024xf32, #tpu.memory_space<vmem>> -> memref<1x16x1024xf32, #tpu.memory_space<vmem>>
        %dma_start3A_811 = tpu.memref_squeeze %dma_start3A_810 : memref<1x16x1024xf32, #tpu.memory_space<vmem>> -> memref<16x1024xf32, #tpu.memory_space<vmem>>
        %dma_start3A_812 = arith.constant 0 : i32
        %dma_start3A_813 = tpu.memref_slice %arg2[%add3A_800, %dma_start3A_812] : memref<16384x1024xf32, #tpu.memory_space<hbm>> -> memref<16x1024xf32, #tpu.memory_space<hbm>>
        tpu.enqueue_dma source(%dma_start3A_813 : memref<16x1024xf32, #tpu.memory_space<hbm>>) target(%dma_start3A_811 : memref<16x1024xf32, #tpu.memory_space<vmem>>) target_semaphore(%arg6 : memref<!tpu.dma_semaphore, #tpu.memory_space<semaphore_mem>>)
      } else {
      }
      %add3A_378 = arith.constant 4 : i32
      %add3A_379 = arith.addi %add3A_306, %add3A_378 : i32
      %lt3A_380 = arith.constant 16 : i32
      %lt3A_381 = arith.cmpi slt, %add3A_379, %lt3A_380 : i32
      %convert_element_type3A_382 = arith.extui %lt3A_381 : i1 to i32
      %cond3A_383 = arith.constant 0 : i32
      %cond3A_384 = arith.cmpi ne, %convert_element_type3A_382, %cond3A_383 : i32
      scf.if %cond3A_384 {
        %add3A_796 = arith.constant 4 : i32
        %add3A_797 = arith.addi %add3A_306, %add3A_796 : i32
        %mul3A_798 = arith.constant 16 : i32
        %mul3A_799 = arith.muli %add3A_797, %mul3A_798 : i32
        %add3A_800 = arith.addi %add3A_4, %mul3A_799 : i32
        %dma_start3A_801 = arith.constant 2 : i32
        %dma_start3A_802 = arith.constant 0 : i32
        %dma_start3A_803 = arith.constant 0 : i32
        %dma_start3A_804 = tpu.memref_slice %arg5[%arg1, %dma_start3A_801, %dma_start3A_802, %dma_start3A_803] : memref<16x4x16x1024xf32, #tpu.memory_space<vmem_shared>> -> memref<1x1x16x1024xf32, #tpu.memory_space<vmem_shared>>
        %dma_start3A_805 = tpu.memref_squeeze %dma_start3A_804 : memref<1x1x16x1024xf32, #tpu.memory_space<vmem_shared>> -> memref<16x1024xf32, #tpu.memory_space<vmem_shared>>
        %dma_start3A_806 = arith.constant 0 : i32
        %dma_start3A_807 = tpu.memref_slice %arg2[%add3A_800, %dma_start3A_806] : memref<16384x1024xf32, #tpu.memory_space<hbm>> -> memref<16x1024xf32, #tpu.memory_space<hbm>>
        tpu.enqueue_dma source(%dma_start3A_807 : memref<16x1024xf32, #tpu.memory_space<hbm>>) target(%dma_start3A_805 : memref<16x1024xf32, #tpu.memory_space<vmem_shared>>) target_semaphore(%arg12 : memref<!tpu.dma_semaphore, #tpu.memory_space<semaphore_mem>>)
      } else {
      }
      %mul3A_385 = arith.constant 8 : i32
      %mul3A_386 = arith.muli %scan3A_141, %mul3A_385 : i32
      %add3A_387 = arith.constant 3 : i32
      %add3A_388 = arith.addi %mul3A_386, %add3A_387 : i32
      %mul3A_389 = arith.constant 16 : i32
      %mul3A_390 = arith.muli %add3A_388, %mul3A_389 : i32
      %add3A_391 = arith.addi %mul3A_2, %mul3A_390 : i32
      %dma_wait3A_392 = arith.constant 1 : i32
      %dma_wait3A_393 = arith.constant 0 : i32
      %dma_wait3A_394 = arith.constant 0 : i32
      %dma_wait3A_395 = tpu.memref_slice %arg4[%dma_wait3A_392, %dma_wait3A_393, %dma_wait3A_394] : memref<2x16x1024xf32, #tpu.memory_space<vmem>> -> memref<1x16x1024xf32, #tpu.memory_space<vmem>>
      %dma_wait3A_396 = tpu.memref_squeeze %dma_wait3A_395 : memref<1x16x1024xf32, #tpu.memory_space<vmem>> -> memref<16x1024xf32, #tpu.memory_space<vmem>>
      %dma_wait3A_397 = arith.constant 0 : i32
      %dma_wait3A_398 = tpu.memref_slice %arg2[%add3A_391, %dma_wait3A_397] : memref<16384x1024xf32, #tpu.memory_space<hbm>> -> memref<16x1024xf32, #tpu.memory_space<hbm>>
      %dma_wait3A_399 = arith.constant 0 : i32
      %dma_wait3A_400 = arith.constant 0 : i32
      %dma_wait3A_401 = tpu.memref_slice %arg4[%dma_wait3A_392, %dma_wait3A_399, %dma_wait3A_400] : memref<2x16x1024xf32, #tpu.memory_space<vmem>> -> memref<1x16x1024xf32, #tpu.memory_space<vmem>>
      %dma_wait3A_402 = tpu.memref_squeeze %dma_wait3A_401 : memref<1x16x1024xf32, #tpu.memory_space<vmem>> -> memref<16x1024xf32, #tpu.memory_space<vmem>>
      %dma_wait3A_403 = arith.constant 0 : i32
      %dma_wait3A_404 = tpu.memref_slice %arg2[%add3A_391, %dma_wait3A_403] : memref<16384x1024xf32, #tpu.memory_space<hbm>> -> memref<16x1024xf32, #tpu.memory_space<hbm>>
      tpu.wait_dma2 semaphore(%arg7 : memref<!tpu.dma_semaphore, #tpu.memory_space<semaphore_mem>>) src(%dma_wait3A_404 : memref<16x1024xf32, #tpu.memory_space<hbm>>) dst(%dma_wait3A_402 : memref<16x1024xf32, #tpu.memory_space<vmem>>)
      %mul3A_405 = arith.constant 16 : i32
      %mul3A_406 = arith.muli %add3A_388, %mul3A_405 : i32
      %add3A_407 = arith.addi %add3A_4, %mul3A_406 : i32
      %dma_wait3A_408 = arith.constant 3 : i32
      %dma_wait3A_409 = arith.constant 0 : i32
      %dma_wait3A_410 = arith.constant 0 : i32
      %dma_wait3A_411 = tpu.memref_slice %arg5[%arg1, %dma_wait3A_408, %dma_wait3A_409, %dma_wait3A_410] : memref<16x4x16x1024xf32, #tpu.memory_space<vmem_shared>> -> memref<1x1x16x1024xf32, #tpu.memory_space<vmem_shared>>
      %dma_wait3A_412 = tpu.memref_squeeze %dma_wait3A_411 : memref<1x1x16x1024xf32, #tpu.memory_space<vmem_shared>> -> memref<16x1024xf32, #tpu.memory_space<vmem_shared>>
      %dma_wait3A_413 = arith.constant 0 : i32
      %dma_wait3A_414 = tpu.memref_slice %arg2[%add3A_407, %dma_wait3A_413] : memref<16384x1024xf32, #tpu.memory_space<hbm>> -> memref<16x1024xf32, #tpu.memory_space<hbm>>
      tpu.wait_dma2 semaphore(%arg13 : memref<!tpu.dma_semaphore, #tpu.memory_space<semaphore_mem>>) src(%dma_wait3A_414 : memref<16x1024xf32, #tpu.memory_space<hbm>>) dst(%dma_wait3A_412 : memref<16x1024xf32, #tpu.memory_space<vmem_shared>>)
      %ge3A_415 = arith.constant 2 : i32
      %ge3A_416 = arith.cmpi sge, %add3A_388, %ge3A_415 : i32
      %convert_element_type3A_417 = arith.extui %ge3A_416 : i1 to i32
      %cond3A_418 = arith.constant 1 : i32
      %cond3A_419 = arith.constant 0 : i32
      %cond3A_420 = arith.cmpi ne, %convert_element_type3A_417, %cond3A_419 : i32
      scf.if %cond3A_420 {
        %sub3A = arith.constant 2 : i32
        %sub3A_796 = arith.subi %add3A_388, %sub3A : i32
        %mul3A_797 = arith.constant 16 : i32
        %mul3A_798 = arith.muli %sub3A_796, %mul3A_797 : i32
        %add3A_799 = arith.addi %mul3A_2, %mul3A_798 : i32
        %dma_wait3A_800 = arith.constant 0 : i32
        %dma_wait3A_801 = arith.constant 0 : i32
        %dma_wait3A_802 = tpu.memref_slice %arg4[%cond3A_418, %dma_wait3A_800, %dma_wait3A_801] : memref<2x16x1024xf32, #tpu.memory_space<vmem>> -> memref<1x16x1024xf32, #tpu.memory_space<vmem>>
        %dma_wait3A_803 = tpu.memref_squeeze %dma_wait3A_802 : memref<1x16x1024xf32, #tpu.memory_space<vmem>> -> memref<16x1024xf32, #tpu.memory_space<vmem>>
        %dma_wait3A_804 = arith.constant 0 : i32
        %dma_wait3A_805 = tpu.memref_slice %arg3[%add3A_799, %dma_wait3A_804] : memref<16384x1024xf32, #tpu.memory_space<hbm>> -> memref<16x1024xf32, #tpu.memory_space<hbm>>
        %dma_wait3A_806 = arith.constant 0 : i32
        %dma_wait3A_807 = tpu.memref_slice %arg3[%add3A_799, %dma_wait3A_806] : memref<16384x1024xf32, #tpu.memory_space<hbm>> -> memref<16x1024xf32, #tpu.memory_space<hbm>>
        %dma_wait3A_808 = arith.constant 0 : i32
        %dma_wait3A_809 = arith.constant 0 : i32
        %dma_wait3A_810 = tpu.memref_slice %arg4[%cond3A_418, %dma_wait3A_808, %dma_wait3A_809] : memref<2x16x1024xf32, #tpu.memory_space<vmem>> -> memref<1x16x1024xf32, #tpu.memory_space<vmem>>
        %dma_wait3A_811 = tpu.memref_squeeze %dma_wait3A_810 : memref<1x16x1024xf32, #tpu.memory_space<vmem>> -> memref<16x1024xf32, #tpu.memory_space<vmem>>
        tpu.wait_dma2 semaphore(%arg9 : memref<!tpu.dma_semaphore, #tpu.memory_space<semaphore_mem>>) src(%dma_wait3A_811 : memref<16x1024xf32, #tpu.memory_space<vmem>>) dst(%dma_wait3A_807 : memref<16x1024xf32, #tpu.memory_space<hbm>>)
      } else {
      }
      %ge3A_421 = arith.constant 4 : i32
      %ge3A_422 = arith.cmpi sge, %add3A_388, %ge3A_421 : i32
      %convert_element_type3A_423 = arith.extui %ge3A_422 : i1 to i32
      %cond3A_424 = arith.constant 3 : i32
      %cond3A_425 = arith.constant 0 : i32
      %cond3A_426 = arith.cmpi ne, %convert_element_type3A_423, %cond3A_425 : i32
      scf.if %cond3A_426 {
        %sub3A = arith.constant 4 : i32
        %sub3A_796 = arith.subi %add3A_388, %sub3A : i32
        %mul3A_797 = arith.constant 16 : i32
        %mul3A_798 = arith.muli %sub3A_796, %mul3A_797 : i32
        %add3A_799 = arith.addi %add3A_4, %mul3A_798 : i32
        %dma_wait3A_800 = arith.constant 0 : i32
        %dma_wait3A_801 = tpu.memref_slice %arg3[%add3A_799, %dma_wait3A_800] : memref<16384x1024xf32, #tpu.memory_space<hbm>> -> memref<16x1024xf32, #tpu.memory_space<hbm>>
        %dma_wait3A_802 = arith.constant 0 : i32
        %dma_wait3A_803 = arith.constant 0 : i32
        %dma_wait3A_804 = tpu.memref_slice %arg5[%arg1, %cond3A_424, %dma_wait3A_802, %dma_wait3A_803] : memref<16x4x16x1024xf32, #tpu.memory_space<vmem_shared>> -> memref<1x1x16x1024xf32, #tpu.memory_space<vmem_shared>>
        %dma_wait3A_805 = tpu.memref_squeeze %dma_wait3A_804 : memref<1x1x16x1024xf32, #tpu.memory_space<vmem_shared>> -> memref<16x1024xf32, #tpu.memory_space<vmem_shared>>
        tpu.wait_dma2 semaphore(%arg17 : memref<!tpu.dma_semaphore, #tpu.memory_space<semaphore_mem>>) src(%dma_wait3A_805 : memref<16x1024xf32, #tpu.memory_space<vmem_shared>>) dst(%dma_wait3A_801 : memref<16x1024xf32, #tpu.memory_space<hbm>>)
      } else {
      }
      %mul3A_427 = arith.constant 16 : i32
      %mul3A_428 = arith.muli %add3A_388, %mul3A_427 : i32
      %add3A_429 = arith.addi %mul3A_2, %mul3A_428 : i32
      %dma_start3A_430 = arith.constant 1 : i32
      %dma_start3A_431 = arith.constant 0 : i32
      %dma_start3A_432 = arith.constant 0 : i32
      %dma_start3A_433 = tpu.memref_slice %arg4[%dma_start3A_430, %dma_start3A_431, %dma_start3A_432] : memref<2x16x1024xf32, #tpu.memory_space<vmem>> -> memref<1x16x1024xf32, #tpu.memory_space<vmem>>
      %dma_start3A_434 = tpu.memref_squeeze %dma_start3A_433 : memref<1x16x1024xf32, #tpu.memory_space<vmem>> -> memref<16x1024xf32, #tpu.memory_space<vmem>>
      %dma_start3A_435 = arith.constant 0 : i32
      %dma_start3A_436 = tpu.memref_slice %arg3[%add3A_429, %dma_start3A_435] : memref<16384x1024xf32, #tpu.memory_space<hbm>> -> memref<16x1024xf32, #tpu.memory_space<hbm>>
      %dma_start3A_437 = arith.constant 0 : i32
      %dma_start3A_438 = tpu.memref_slice %arg3[%add3A_429, %dma_start3A_437] : memref<16384x1024xf32, #tpu.memory_space<hbm>> -> memref<16x1024xf32, #tpu.memory_space<hbm>>
      %dma_start3A_439 = arith.constant 0 : i32
      %dma_start3A_440 = arith.constant 0 : i32
      %dma_start3A_441 = tpu.memref_slice %arg4[%dma_start3A_430, %dma_start3A_439, %dma_start3A_440] : memref<2x16x1024xf32, #tpu.memory_space<vmem>> -> memref<1x16x1024xf32, #tpu.memory_space<vmem>>
      %dma_start3A_442 = tpu.memref_squeeze %dma_start3A_441 : memref<1x16x1024xf32, #tpu.memory_space<vmem>> -> memref<16x1024xf32, #tpu.memory_space<vmem>>
      tpu.enqueue_dma source(%dma_start3A_442 : memref<16x1024xf32, #tpu.memory_space<vmem>>) target(%dma_start3A_438 : memref<16x1024xf32, #tpu.memory_space<hbm>>) target_semaphore(%arg9 : memref<!tpu.dma_semaphore, #tpu.memory_space<semaphore_mem>>)
      %mul3A_443 = arith.constant 16 : i32
      %mul3A_444 = arith.muli %add3A_388, %mul3A_443 : i32
      %add3A_445 = arith.addi %add3A_4, %mul3A_444 : i32
      %dma_start3A_446 = arith.constant 3 : i32
      %dma_start3A_447 = arith.constant 0 : i32
      %dma_start3A_448 = tpu.memref_slice %arg3[%add3A_445, %dma_start3A_447] : memref<16384x1024xf32, #tpu.memory_space<hbm>> -> memref<16x1024xf32, #tpu.memory_space<hbm>>
      %dma_start3A_449 = arith.constant 0 : i32
      %dma_start3A_450 = arith.constant 0 : i32
      %dma_start3A_451 = tpu.memref_slice %arg5[%arg1, %dma_start3A_446, %dma_start3A_449, %dma_start3A_450] : memref<16x4x16x1024xf32, #tpu.memory_space<vmem_shared>> -> memref<1x1x16x1024xf32, #tpu.memory_space<vmem_shared>>
      %dma_start3A_452 = tpu.memref_squeeze %dma_start3A_451 : memref<1x1x16x1024xf32, #tpu.memory_space<vmem_shared>> -> memref<16x1024xf32, #tpu.memory_space<vmem_shared>>
      tpu.enqueue_dma source(%dma_start3A_452 : memref<16x1024xf32, #tpu.memory_space<vmem_shared>>) target(%dma_start3A_448 : memref<16x1024xf32, #tpu.memory_space<hbm>>) target_semaphore(%arg17 : memref<!tpu.dma_semaphore, #tpu.memory_space<semaphore_mem>>)
      %add3A_453 = arith.constant 2 : i32
      %add3A_454 = arith.addi %add3A_388, %add3A_453 : i32
      %lt3A_455 = arith.constant 16 : i32
      %lt3A_456 = arith.cmpi slt, %add3A_454, %lt3A_455 : i32
      %convert_element_type3A_457 = arith.extui %lt3A_456 : i1 to i32
      %cond3A_458 = arith.constant 0 : i32
      %cond3A_459 = arith.cmpi ne, %convert_element_type3A_457, %cond3A_458 : i32
      scf.if %cond3A_459 {
        %add3A_796 = arith.constant 2 : i32
        %add3A_797 = arith.addi %add3A_388, %add3A_796 : i32
        %mul3A_798 = arith.constant 16 : i32
        %mul3A_799 = arith.muli %add3A_797, %mul3A_798 : i32
        %add3A_800 = arith.addi %mul3A_2, %mul3A_799 : i32
        %dma_start3A_801 = arith.constant 1 : i32
        %dma_start3A_802 = arith.constant 0 : i32
        %dma_start3A_803 = arith.constant 0 : i32
        %dma_start3A_804 = tpu.memref_slice %arg4[%dma_start3A_801, %dma_start3A_802, %dma_start3A_803] : memref<2x16x1024xf32, #tpu.memory_space<vmem>> -> memref<1x16x1024xf32, #tpu.memory_space<vmem>>
        %dma_start3A_805 = tpu.memref_squeeze %dma_start3A_804 : memref<1x16x1024xf32, #tpu.memory_space<vmem>> -> memref<16x1024xf32, #tpu.memory_space<vmem>>
        %dma_start3A_806 = arith.constant 0 : i32
        %dma_start3A_807 = tpu.memref_slice %arg2[%add3A_800, %dma_start3A_806] : memref<16384x1024xf32, #tpu.memory_space<hbm>> -> memref<16x1024xf32, #tpu.memory_space<hbm>>
        %dma_start3A_808 = arith.constant 0 : i32
        %dma_start3A_809 = arith.constant 0 : i32
        %dma_start3A_810 = tpu.memref_slice %arg4[%dma_start3A_801, %dma_start3A_808, %dma_start3A_809] : memref<2x16x1024xf32, #tpu.memory_space<vmem>> -> memref<1x16x1024xf32, #tpu.memory_space<vmem>>
        %dma_start3A_811 = tpu.memref_squeeze %dma_start3A_810 : memref<1x16x1024xf32, #tpu.memory_space<vmem>> -> memref<16x1024xf32, #tpu.memory_space<vmem>>
        %dma_start3A_812 = arith.constant 0 : i32
        %dma_start3A_813 = tpu.memref_slice %arg2[%add3A_800, %dma_start3A_812] : memref<16384x1024xf32, #tpu.memory_space<hbm>> -> memref<16x1024xf32, #tpu.memory_space<hbm>>
        tpu.enqueue_dma source(%dma_start3A_813 : memref<16x1024xf32, #tpu.memory_space<hbm>>) target(%dma_start3A_811 : memref<16x1024xf32, #tpu.memory_space<vmem>>) target_semaphore(%arg7 : memref<!tpu.dma_semaphore, #tpu.memory_space<semaphore_mem>>)
      } else {
      }
      %add3A_460 = arith.constant 4 : i32
      %add3A_461 = arith.addi %add3A_388, %add3A_460 : i32
      %lt3A_462 = arith.constant 16 : i32
      %lt3A_463 = arith.cmpi slt, %add3A_461, %lt3A_462 : i32
      %convert_element_type3A_464 = arith.extui %lt3A_463 : i1 to i32
      %cond3A_465 = arith.constant 0 : i32
      %cond3A_466 = arith.cmpi ne, %convert_element_type3A_464, %cond3A_465 : i32
      scf.if %cond3A_466 {
        %add3A_796 = arith.constant 4 : i32
        %add3A_797 = arith.addi %add3A_388, %add3A_796 : i32
        %mul3A_798 = arith.constant 16 : i32
        %mul3A_799 = arith.muli %add3A_797, %mul3A_798 : i32
        %add3A_800 = arith.addi %add3A_4, %mul3A_799 : i32
        %dma_start3A_801 = arith.constant 3 : i32
        %dma_start3A_802 = arith.constant 0 : i32
        %dma_start3A_803 = arith.constant 0 : i32
        %dma_start3A_804 = tpu.memref_slice %arg5[%arg1, %dma_start3A_801, %dma_start3A_802, %dma_start3A_803] : memref<16x4x16x1024xf32, #tpu.memory_space<vmem_shared>> -> memref<1x1x16x1024xf32, #tpu.memory_space<vmem_shared>>
        %dma_start3A_805 = tpu.memref_squeeze %dma_start3A_804 : memref<1x1x16x1024xf32, #tpu.memory_space<vmem_shared>> -> memref<16x1024xf32, #tpu.memory_space<vmem_shared>>
        %dma_start3A_806 = arith.constant 0 : i32
        %dma_start3A_807 = tpu.memref_slice %arg2[%add3A_800, %dma_start3A_806] : memref<16384x1024xf32, #tpu.memory_space<hbm>> -> memref<16x1024xf32, #tpu.memory_space<hbm>>
        tpu.enqueue_dma source(%dma_start3A_807 : memref<16x1024xf32, #tpu.memory_space<hbm>>) target(%dma_start3A_805 : memref<16x1024xf32, #tpu.memory_space<vmem_shared>>) target_semaphore(%arg13 : memref<!tpu.dma_semaphore, #tpu.memory_space<semaphore_mem>>)
      } else {
      }
      %mul3A_467 = arith.constant 8 : i32
      %mul3A_468 = arith.muli %scan3A_141, %mul3A_467 : i32
      %add3A_469 = arith.constant 4 : i32
      %add3A_470 = arith.addi %mul3A_468, %add3A_469 : i32
      %mul3A_471 = arith.constant 16 : i32
      %mul3A_472 = arith.muli %add3A_470, %mul3A_471 : i32
      %add3A_473 = arith.addi %mul3A_2, %mul3A_472 : i32
      %dma_wait3A_474 = arith.constant 0 : i32
      %dma_wait3A_475 = arith.constant 0 : i32
      %dma_wait3A_476 = arith.constant 0 : i32
      %dma_wait3A_477 = tpu.memref_slice %arg4[%dma_wait3A_474, %dma_wait3A_475, %dma_wait3A_476] : memref<2x16x1024xf32, #tpu.memory_space<vmem>> -> memref<1x16x1024xf32, #tpu.memory_space<vmem>>
      %dma_wait3A_478 = tpu.memref_squeeze %dma_wait3A_477 : memref<1x16x1024xf32, #tpu.memory_space<vmem>> -> memref<16x1024xf32, #tpu.memory_space<vmem>>
      %dma_wait3A_479 = arith.constant 0 : i32
      %dma_wait3A_480 = tpu.memref_slice %arg2[%add3A_473, %dma_wait3A_479] : memref<16384x1024xf32, #tpu.memory_space<hbm>> -> memref<16x1024xf32, #tpu.memory_space<hbm>>
      %dma_wait3A_481 = arith.constant 0 : i32
      %dma_wait3A_482 = arith.constant 0 : i32
      %dma_wait3A_483 = tpu.memref_slice %arg4[%dma_wait3A_474, %dma_wait3A_481, %dma_wait3A_482] : memref<2x16x1024xf32, #tpu.memory_space<vmem>> -> memref<1x16x1024xf32, #tpu.memory_space<vmem>>
      %dma_wait3A_484 = tpu.memref_squeeze %dma_wait3A_483 : memref<1x16x1024xf32, #tpu.memory_space<vmem>> -> memref<16x1024xf32, #tpu.memory_space<vmem>>
      %dma_wait3A_485 = arith.constant 0 : i32
      %dma_wait3A_486 = tpu.memref_slice %arg2[%add3A_473, %dma_wait3A_485] : memref<16384x1024xf32, #tpu.memory_space<hbm>> -> memref<16x1024xf32, #tpu.memory_space<hbm>>
      tpu.wait_dma2 semaphore(%arg6 : memref<!tpu.dma_semaphore, #tpu.memory_space<semaphore_mem>>) src(%dma_wait3A_486 : memref<16x1024xf32, #tpu.memory_space<hbm>>) dst(%dma_wait3A_484 : memref<16x1024xf32, #tpu.memory_space<vmem>>)
      %mul3A_487 = arith.constant 16 : i32
      %mul3A_488 = arith.muli %add3A_470, %mul3A_487 : i32
      %add3A_489 = arith.addi %add3A_4, %mul3A_488 : i32
      %dma_wait3A_490 = arith.constant 0 : i32
      %dma_wait3A_491 = arith.constant 0 : i32
      %dma_wait3A_492 = arith.constant 0 : i32
      %dma_wait3A_493 = tpu.memref_slice %arg5[%arg1, %dma_wait3A_490, %dma_wait3A_491, %dma_wait3A_492] : memref<16x4x16x1024xf32, #tpu.memory_space<vmem_shared>> -> memref<1x1x16x1024xf32, #tpu.memory_space<vmem_shared>>
      %dma_wait3A_494 = tpu.memref_squeeze %dma_wait3A_493 : memref<1x1x16x1024xf32, #tpu.memory_space<vmem_shared>> -> memref<16x1024xf32, #tpu.memory_space<vmem_shared>>
      %dma_wait3A_495 = arith.constant 0 : i32
      %dma_wait3A_496 = tpu.memref_slice %arg2[%add3A_489, %dma_wait3A_495] : memref<16384x1024xf32, #tpu.memory_space<hbm>> -> memref<16x1024xf32, #tpu.memory_space<hbm>>
      tpu.wait_dma2 semaphore(%arg10 : memref<!tpu.dma_semaphore, #tpu.memory_space<semaphore_mem>>) src(%dma_wait3A_496 : memref<16x1024xf32, #tpu.memory_space<hbm>>) dst(%dma_wait3A_494 : memref<16x1024xf32, #tpu.memory_space<vmem_shared>>)
      %ge3A_497 = arith.constant 2 : i32
      %ge3A_498 = arith.cmpi sge, %add3A_470, %ge3A_497 : i32
      %convert_element_type3A_499 = arith.extui %ge3A_498 : i1 to i32
      %cond3A_500 = arith.constant 0 : i32
      %cond3A_501 = arith.constant 0 : i32
      %cond3A_502 = arith.cmpi ne, %convert_element_type3A_499, %cond3A_501 : i32
      scf.if %cond3A_502 {
        %sub3A = arith.constant 2 : i32
        %sub3A_796 = arith.subi %add3A_470, %sub3A : i32
        %mul3A_797 = arith.constant 16 : i32
        %mul3A_798 = arith.muli %sub3A_796, %mul3A_797 : i32
        %add3A_799 = arith.addi %mul3A_2, %mul3A_798 : i32
        %dma_wait3A_800 = arith.constant 0 : i32
        %dma_wait3A_801 = arith.constant 0 : i32
        %dma_wait3A_802 = tpu.memref_slice %arg4[%cond3A_500, %dma_wait3A_800, %dma_wait3A_801] : memref<2x16x1024xf32, #tpu.memory_space<vmem>> -> memref<1x16x1024xf32, #tpu.memory_space<vmem>>
        %dma_wait3A_803 = tpu.memref_squeeze %dma_wait3A_802 : memref<1x16x1024xf32, #tpu.memory_space<vmem>> -> memref<16x1024xf32, #tpu.memory_space<vmem>>
        %dma_wait3A_804 = arith.constant 0 : i32
        %dma_wait3A_805 = tpu.memref_slice %arg3[%add3A_799, %dma_wait3A_804] : memref<16384x1024xf32, #tpu.memory_space<hbm>> -> memref<16x1024xf32, #tpu.memory_space<hbm>>
        %dma_wait3A_806 = arith.constant 0 : i32
        %dma_wait3A_807 = tpu.memref_slice %arg3[%add3A_799, %dma_wait3A_806] : memref<16384x1024xf32, #tpu.memory_space<hbm>> -> memref<16x1024xf32, #tpu.memory_space<hbm>>
        %dma_wait3A_808 = arith.constant 0 : i32
        %dma_wait3A_809 = arith.constant 0 : i32
        %dma_wait3A_810 = tpu.memref_slice %arg4[%cond3A_500, %dma_wait3A_808, %dma_wait3A_809] : memref<2x16x1024xf32, #tpu.memory_space<vmem>> -> memref<1x16x1024xf32, #tpu.memory_space<vmem>>
        %dma_wait3A_811 = tpu.memref_squeeze %dma_wait3A_810 : memref<1x16x1024xf32, #tpu.memory_space<vmem>> -> memref<16x1024xf32, #tpu.memory_space<vmem>>
        tpu.wait_dma2 semaphore(%arg8 : memref<!tpu.dma_semaphore, #tpu.memory_space<semaphore_mem>>) src(%dma_wait3A_811 : memref<16x1024xf32, #tpu.memory_space<vmem>>) dst(%dma_wait3A_807 : memref<16x1024xf32, #tpu.memory_space<hbm>>)
      } else {
      }
      %ge3A_503 = arith.constant 4 : i32
      %ge3A_504 = arith.cmpi sge, %add3A_470, %ge3A_503 : i32
      %convert_element_type3A_505 = arith.extui %ge3A_504 : i1 to i32
      %cond3A_506 = arith.constant 0 : i32
      %cond3A_507 = arith.constant 0 : i32
      %cond3A_508 = arith.cmpi ne, %convert_element_type3A_505, %cond3A_507 : i32
      scf.if %cond3A_508 {
        %sub3A = arith.constant 4 : i32
        %sub3A_796 = arith.subi %add3A_470, %sub3A : i32
        %mul3A_797 = arith.constant 16 : i32
        %mul3A_798 = arith.muli %sub3A_796, %mul3A_797 : i32
        %add3A_799 = arith.addi %add3A_4, %mul3A_798 : i32
        %dma_wait3A_800 = arith.constant 0 : i32
        %dma_wait3A_801 = tpu.memref_slice %arg3[%add3A_799, %dma_wait3A_800] : memref<16384x1024xf32, #tpu.memory_space<hbm>> -> memref<16x1024xf32, #tpu.memory_space<hbm>>
        %dma_wait3A_802 = arith.constant 0 : i32
        %dma_wait3A_803 = arith.constant 0 : i32
        %dma_wait3A_804 = tpu.memref_slice %arg5[%arg1, %cond3A_506, %dma_wait3A_802, %dma_wait3A_803] : memref<16x4x16x1024xf32, #tpu.memory_space<vmem_shared>> -> memref<1x1x16x1024xf32, #tpu.memory_space<vmem_shared>>
        %dma_wait3A_805 = tpu.memref_squeeze %dma_wait3A_804 : memref<1x1x16x1024xf32, #tpu.memory_space<vmem_shared>> -> memref<16x1024xf32, #tpu.memory_space<vmem_shared>>
        tpu.wait_dma2 semaphore(%arg14 : memref<!tpu.dma_semaphore, #tpu.memory_space<semaphore_mem>>) src(%dma_wait3A_805 : memref<16x1024xf32, #tpu.memory_space<vmem_shared>>) dst(%dma_wait3A_801 : memref<16x1024xf32, #tpu.memory_space<hbm>>)
      } else {
      }
      %mul3A_509 = arith.constant 16 : i32
      %mul3A_510 = arith.muli %add3A_470, %mul3A_509 : i32
      %add3A_511 = arith.addi %mul3A_2, %mul3A_510 : i32
      %dma_start3A_512 = arith.constant 0 : i32
      %dma_start3A_513 = arith.constant 0 : i32
      %dma_start3A_514 = arith.constant 0 : i32
      %dma_start3A_515 = tpu.memref_slice %arg4[%dma_start3A_512, %dma_start3A_513, %dma_start3A_514] : memref<2x16x1024xf32, #tpu.memory_space<vmem>> -> memref<1x16x1024xf32, #tpu.memory_space<vmem>>
      %dma_start3A_516 = tpu.memref_squeeze %dma_start3A_515 : memref<1x16x1024xf32, #tpu.memory_space<vmem>> -> memref<16x1024xf32, #tpu.memory_space<vmem>>
      %dma_start3A_517 = arith.constant 0 : i32
      %dma_start3A_518 = tpu.memref_slice %arg3[%add3A_511, %dma_start3A_517] : memref<16384x1024xf32, #tpu.memory_space<hbm>> -> memref<16x1024xf32, #tpu.memory_space<hbm>>
      %dma_start3A_519 = arith.constant 0 : i32
      %dma_start3A_520 = tpu.memref_slice %arg3[%add3A_511, %dma_start3A_519] : memref<16384x1024xf32, #tpu.memory_space<hbm>> -> memref<16x1024xf32, #tpu.memory_space<hbm>>
      %dma_start3A_521 = arith.constant 0 : i32
      %dma_start3A_522 = arith.constant 0 : i32
      %dma_start3A_523 = tpu.memref_slice %arg4[%dma_start3A_512, %dma_start3A_521, %dma_start3A_522] : memref<2x16x1024xf32, #tpu.memory_space<vmem>> -> memref<1x16x1024xf32, #tpu.memory_space<vmem>>
      %dma_start3A_524 = tpu.memref_squeeze %dma_start3A_523 : memref<1x16x1024xf32, #tpu.memory_space<vmem>> -> memref<16x1024xf32, #tpu.memory_space<vmem>>
      tpu.enqueue_dma source(%dma_start3A_524 : memref<16x1024xf32, #tpu.memory_space<vmem>>) target(%dma_start3A_520 : memref<16x1024xf32, #tpu.memory_space<hbm>>) target_semaphore(%arg8 : memref<!tpu.dma_semaphore, #tpu.memory_space<semaphore_mem>>)
      %mul3A_525 = arith.constant 16 : i32
      %mul3A_526 = arith.muli %add3A_470, %mul3A_525 : i32
      %add3A_527 = arith.addi %add3A_4, %mul3A_526 : i32
      %dma_start3A_528 = arith.constant 0 : i32
      %dma_start3A_529 = arith.constant 0 : i32
      %dma_start3A_530 = tpu.memref_slice %arg3[%add3A_527, %dma_start3A_529] : memref<16384x1024xf32, #tpu.memory_space<hbm>> -> memref<16x1024xf32, #tpu.memory_space<hbm>>
      %dma_start3A_531 = arith.constant 0 : i32
      %dma_start3A_532 = arith.constant 0 : i32
      %dma_start3A_533 = tpu.memref_slice %arg5[%arg1, %dma_start3A_528, %dma_start3A_531, %dma_start3A_532] : memref<16x4x16x1024xf32, #tpu.memory_space<vmem_shared>> -> memref<1x1x16x1024xf32, #tpu.memory_space<vmem_shared>>
      %dma_start3A_534 = tpu.memref_squeeze %dma_start3A_533 : memref<1x1x16x1024xf32, #tpu.memory_space<vmem_shared>> -> memref<16x1024xf32, #tpu.memory_space<vmem_shared>>
      tpu.enqueue_dma source(%dma_start3A_534 : memref<16x1024xf32, #tpu.memory_space<vmem_shared>>) target(%dma_start3A_530 : memref<16x1024xf32, #tpu.memory_space<hbm>>) target_semaphore(%arg14 : memref<!tpu.dma_semaphore, #tpu.memory_space<semaphore_mem>>)
      %add3A_535 = arith.constant 2 : i32
      %add3A_536 = arith.addi %add3A_470, %add3A_535 : i32
      %lt3A_537 = arith.constant 16 : i32
      %lt3A_538 = arith.cmpi slt, %add3A_536, %lt3A_537 : i32
      %convert_element_type3A_539 = arith.extui %lt3A_538 : i1 to i32
      %cond3A_540 = arith.constant 0 : i32
      %cond3A_541 = arith.cmpi ne, %convert_element_type3A_539, %cond3A_540 : i32
      scf.if %cond3A_541 {
        %add3A_796 = arith.constant 2 : i32
        %add3A_797 = arith.addi %add3A_470, %add3A_796 : i32
        %mul3A_798 = arith.constant 16 : i32
        %mul3A_799 = arith.muli %add3A_797, %mul3A_798 : i32
        %add3A_800 = arith.addi %mul3A_2, %mul3A_799 : i32
        %dma_start3A_801 = arith.constant 0 : i32
        %dma_start3A_802 = arith.constant 0 : i32
        %dma_start3A_803 = arith.constant 0 : i32
        %dma_start3A_804 = tpu.memref_slice %arg4[%dma_start3A_801, %dma_start3A_802, %dma_start3A_803] : memref<2x16x1024xf32, #tpu.memory_space<vmem>> -> memref<1x16x1024xf32, #tpu.memory_space<vmem>>
        %dma_start3A_805 = tpu.memref_squeeze %dma_start3A_804 : memref<1x16x1024xf32, #tpu.memory_space<vmem>> -> memref<16x1024xf32, #tpu.memory_space<vmem>>
        %dma_start3A_806 = arith.constant 0 : i32
        %dma_start3A_807 = tpu.memref_slice %arg2[%add3A_800, %dma_start3A_806] : memref<16384x1024xf32, #tpu.memory_space<hbm>> -> memref<16x1024xf32, #tpu.memory_space<hbm>>
        %dma_start3A_808 = arith.constant 0 : i32
        %dma_start3A_809 = arith.constant 0 : i32
        %dma_start3A_810 = tpu.memref_slice %arg4[%dma_start3A_801, %dma_start3A_808, %dma_start3A_809] : memref<2x16x1024xf32, #tpu.memory_space<vmem>> -> memref<1x16x1024xf32, #tpu.memory_space<vmem>>
        %dma_start3A_811 = tpu.memref_squeeze %dma_start3A_810 : memref<1x16x1024xf32, #tpu.memory_space<vmem>> -> memref<16x1024xf32, #tpu.memory_space<vmem>>
        %dma_start3A_812 = arith.constant 0 : i32
        %dma_start3A_813 = tpu.memref_slice %arg2[%add3A_800, %dma_start3A_812] : memref<16384x1024xf32, #tpu.memory_space<hbm>> -> memref<16x1024xf32, #tpu.memory_space<hbm>>
        tpu.enqueue_dma source(%dma_start3A_813 : memref<16x1024xf32, #tpu.memory_space<hbm>>) target(%dma_start3A_811 : memref<16x1024xf32, #tpu.memory_space<vmem>>) target_semaphore(%arg6 : memref<!tpu.dma_semaphore, #tpu.memory_space<semaphore_mem>>)
      } else {
      }
      %add3A_542 = arith.constant 4 : i32
      %add3A_543 = arith.addi %add3A_470, %add3A_542 : i32
      %lt3A_544 = arith.constant 16 : i32
      %lt3A_545 = arith.cmpi slt, %add3A_543, %lt3A_544 : i32
      %convert_element_type3A_546 = arith.extui %lt3A_545 : i1 to i32
      %cond3A_547 = arith.constant 0 : i32
      %cond3A_548 = arith.cmpi ne, %convert_element_type3A_546, %cond3A_547 : i32
      scf.if %cond3A_548 {
        %add3A_796 = arith.constant 4 : i32
        %add3A_797 = arith.addi %add3A_470, %add3A_796 : i32
        %mul3A_798 = arith.constant 16 : i32
        %mul3A_799 = arith.muli %add3A_797, %mul3A_798 : i32
        %add3A_800 = arith.addi %add3A_4, %mul3A_799 : i32
        %dma_start3A_801 = arith.constant 0 : i32
        %dma_start3A_802 = arith.constant 0 : i32
        %dma_start3A_803 = arith.constant 0 : i32
        %dma_start3A_804 = tpu.memref_slice %arg5[%arg1, %dma_start3A_801, %dma_start3A_802, %dma_start3A_803] : memref<16x4x16x1024xf32, #tpu.memory_space<vmem_shared>> -> memref<1x1x16x1024xf32, #tpu.memory_space<vmem_shared>>
        %dma_start3A_805 = tpu.memref_squeeze %dma_start3A_804 : memref<1x1x16x1024xf32, #tpu.memory_space<vmem_shared>> -> memref<16x1024xf32, #tpu.memory_space<vmem_shared>>
        %dma_start3A_806 = arith.constant 0 : i32
        %dma_start3A_807 = tpu.memref_slice %arg2[%add3A_800, %dma_start3A_806] : memref<16384x1024xf32, #tpu.memory_space<hbm>> -> memref<16x1024xf32, #tpu.memory_space<hbm>>
        tpu.enqueue_dma source(%dma_start3A_807 : memref<16x1024xf32, #tpu.memory_space<hbm>>) target(%dma_start3A_805 : memref<16x1024xf32, #tpu.memory_space<vmem_shared>>) target_semaphore(%arg10 : memref<!tpu.dma_semaphore, #tpu.memory_space<semaphore_mem>>)
      } else {
      }
      %mul3A_549 = arith.constant 8 : i32
      %mul3A_550 = arith.muli %scan3A_141, %mul3A_549 : i32
      %add3A_551 = arith.constant 5 : i32
      %add3A_552 = arith.addi %mul3A_550, %add3A_551 : i32
      %mul3A_553 = arith.constant 16 : i32
      %mul3A_554 = arith.muli %add3A_552, %mul3A_553 : i32
      %add3A_555 = arith.addi %mul3A_2, %mul3A_554 : i32
      %dma_wait3A_556 = arith.constant 1 : i32
      %dma_wait3A_557 = arith.constant 0 : i32
      %dma_wait3A_558 = arith.constant 0 : i32
      %dma_wait3A_559 = tpu.memref_slice %arg4[%dma_wait3A_556, %dma_wait3A_557, %dma_wait3A_558] : memref<2x16x1024xf32, #tpu.memory_space<vmem>> -> memref<1x16x1024xf32, #tpu.memory_space<vmem>>
      %dma_wait3A_560 = tpu.memref_squeeze %dma_wait3A_559 : memref<1x16x1024xf32, #tpu.memory_space<vmem>> -> memref<16x1024xf32, #tpu.memory_space<vmem>>
      %dma_wait3A_561 = arith.constant 0 : i32
      %dma_wait3A_562 = tpu.memref_slice %arg2[%add3A_555, %dma_wait3A_561] : memref<16384x1024xf32, #tpu.memory_space<hbm>> -> memref<16x1024xf32, #tpu.memory_space<hbm>>
      %dma_wait3A_563 = arith.constant 0 : i32
      %dma_wait3A_564 = arith.constant 0 : i32
      %dma_wait3A_565 = tpu.memref_slice %arg4[%dma_wait3A_556, %dma_wait3A_563, %dma_wait3A_564] : memref<2x16x1024xf32, #tpu.memory_space<vmem>> -> memref<1x16x1024xf32, #tpu.memory_space<vmem>>
      %dma_wait3A_566 = tpu.memref_squeeze %dma_wait3A_565 : memref<1x16x1024xf32, #tpu.memory_space<vmem>> -> memref<16x1024xf32, #tpu.memory_space<vmem>>
      %dma_wait3A_567 = arith.constant 0 : i32
      %dma_wait3A_568 = tpu.memref_slice %arg2[%add3A_555, %dma_wait3A_567] : memref<16384x1024xf32, #tpu.memory_space<hbm>> -> memref<16x1024xf32, #tpu.memory_space<hbm>>
      tpu.wait_dma2 semaphore(%arg7 : memref<!tpu.dma_semaphore, #tpu.memory_space<semaphore_mem>>) src(%dma_wait3A_568 : memref<16x1024xf32, #tpu.memory_space<hbm>>) dst(%dma_wait3A_566 : memref<16x1024xf32, #tpu.memory_space<vmem>>)
      %mul3A_569 = arith.constant 16 : i32
      %mul3A_570 = arith.muli %add3A_552, %mul3A_569 : i32
      %add3A_571 = arith.addi %add3A_4, %mul3A_570 : i32
      %dma_wait3A_572 = arith.constant 1 : i32
      %dma_wait3A_573 = arith.constant 0 : i32
      %dma_wait3A_574 = arith.constant 0 : i32
      %dma_wait3A_575 = tpu.memref_slice %arg5[%arg1, %dma_wait3A_572, %dma_wait3A_573, %dma_wait3A_574] : memref<16x4x16x1024xf32, #tpu.memory_space<vmem_shared>> -> memref<1x1x16x1024xf32, #tpu.memory_space<vmem_shared>>
      %dma_wait3A_576 = tpu.memref_squeeze %dma_wait3A_575 : memref<1x1x16x1024xf32, #tpu.memory_space<vmem_shared>> -> memref<16x1024xf32, #tpu.memory_space<vmem_shared>>
      %dma_wait3A_577 = arith.constant 0 : i32
      %dma_wait3A_578 = tpu.memref_slice %arg2[%add3A_571, %dma_wait3A_577] : memref<16384x1024xf32, #tpu.memory_space<hbm>> -> memref<16x1024xf32, #tpu.memory_space<hbm>>
      tpu.wait_dma2 semaphore(%arg11 : memref<!tpu.dma_semaphore, #tpu.memory_space<semaphore_mem>>) src(%dma_wait3A_578 : memref<16x1024xf32, #tpu.memory_space<hbm>>) dst(%dma_wait3A_576 : memref<16x1024xf32, #tpu.memory_space<vmem_shared>>)
      %ge3A_579 = arith.constant 2 : i32
      %ge3A_580 = arith.cmpi sge, %add3A_552, %ge3A_579 : i32
      %convert_element_type3A_581 = arith.extui %ge3A_580 : i1 to i32
      %cond3A_582 = arith.constant 1 : i32
      %cond3A_583 = arith.constant 0 : i32
      %cond3A_584 = arith.cmpi ne, %convert_element_type3A_581, %cond3A_583 : i32
      scf.if %cond3A_584 {
        %sub3A = arith.constant 2 : i32
        %sub3A_796 = arith.subi %add3A_552, %sub3A : i32
        %mul3A_797 = arith.constant 16 : i32
        %mul3A_798 = arith.muli %sub3A_796, %mul3A_797 : i32
        %add3A_799 = arith.addi %mul3A_2, %mul3A_798 : i32
        %dma_wait3A_800 = arith.constant 0 : i32
        %dma_wait3A_801 = arith.constant 0 : i32
        %dma_wait3A_802 = tpu.memref_slice %arg4[%cond3A_582, %dma_wait3A_800, %dma_wait3A_801] : memref<2x16x1024xf32, #tpu.memory_space<vmem>> -> memref<1x16x1024xf32, #tpu.memory_space<vmem>>
        %dma_wait3A_803 = tpu.memref_squeeze %dma_wait3A_802 : memref<1x16x1024xf32, #tpu.memory_space<vmem>> -> memref<16x1024xf32, #tpu.memory_space<vmem>>
        %dma_wait3A_804 = arith.constant 0 : i32
        %dma_wait3A_805 = tpu.memref_slice %arg3[%add3A_799, %dma_wait3A_804] : memref<16384x1024xf32, #tpu.memory_space<hbm>> -> memref<16x1024xf32, #tpu.memory_space<hbm>>
        %dma_wait3A_806 = arith.constant 0 : i32
        %dma_wait3A_807 = tpu.memref_slice %arg3[%add3A_799, %dma_wait3A_806] : memref<16384x1024xf32, #tpu.memory_space<hbm>> -> memref<16x1024xf32, #tpu.memory_space<hbm>>
        %dma_wait3A_808 = arith.constant 0 : i32
        %dma_wait3A_809 = arith.constant 0 : i32
        %dma_wait3A_810 = tpu.memref_slice %arg4[%cond3A_582, %dma_wait3A_808, %dma_wait3A_809] : memref<2x16x1024xf32, #tpu.memory_space<vmem>> -> memref<1x16x1024xf32, #tpu.memory_space<vmem>>
        %dma_wait3A_811 = tpu.memref_squeeze %dma_wait3A_810 : memref<1x16x1024xf32, #tpu.memory_space<vmem>> -> memref<16x1024xf32, #tpu.memory_space<vmem>>
        tpu.wait_dma2 semaphore(%arg9 : memref<!tpu.dma_semaphore, #tpu.memory_space<semaphore_mem>>) src(%dma_wait3A_811 : memref<16x1024xf32, #tpu.memory_space<vmem>>) dst(%dma_wait3A_807 : memref<16x1024xf32, #tpu.memory_space<hbm>>)
      } else {
      }
      %ge3A_585 = arith.constant 4 : i32
      %ge3A_586 = arith.cmpi sge, %add3A_552, %ge3A_585 : i32
      %convert_element_type3A_587 = arith.extui %ge3A_586 : i1 to i32
      %cond3A_588 = arith.constant 1 : i32
      %cond3A_589 = arith.constant 0 : i32
      %cond3A_590 = arith.cmpi ne, %convert_element_type3A_587, %cond3A_589 : i32
      scf.if %cond3A_590 {
        %sub3A = arith.constant 4 : i32
        %sub3A_796 = arith.subi %add3A_552, %sub3A : i32
        %mul3A_797 = arith.constant 16 : i32
        %mul3A_798 = arith.muli %sub3A_796, %mul3A_797 : i32
        %add3A_799 = arith.addi %add3A_4, %mul3A_798 : i32
        %dma_wait3A_800 = arith.constant 0 : i32
        %dma_wait3A_801 = tpu.memref_slice %arg3[%add3A_799, %dma_wait3A_800] : memref<16384x1024xf32, #tpu.memory_space<hbm>> -> memref<16x1024xf32, #tpu.memory_space<hbm>>
        %dma_wait3A_802 = arith.constant 0 : i32
        %dma_wait3A_803 = arith.constant 0 : i32
        %dma_wait3A_804 = tpu.memref_slice %arg5[%arg1, %cond3A_588, %dma_wait3A_802, %dma_wait3A_803] : memref<16x4x16x1024xf32, #tpu.memory_space<vmem_shared>> -> memref<1x1x16x1024xf32, #tpu.memory_space<vmem_shared>>
        %dma_wait3A_805 = tpu.memref_squeeze %dma_wait3A_804 : memref<1x1x16x1024xf32, #tpu.memory_space<vmem_shared>> -> memref<16x1024xf32, #tpu.memory_space<vmem_shared>>
        tpu.wait_dma2 semaphore(%arg15 : memref<!tpu.dma_semaphore, #tpu.memory_space<semaphore_mem>>) src(%dma_wait3A_805 : memref<16x1024xf32, #tpu.memory_space<vmem_shared>>) dst(%dma_wait3A_801 : memref<16x1024xf32, #tpu.memory_space<hbm>>)
      } else {
      }
      %mul3A_591 = arith.constant 16 : i32
      %mul3A_592 = arith.muli %add3A_552, %mul3A_591 : i32
      %add3A_593 = arith.addi %mul3A_2, %mul3A_592 : i32
      %dma_start3A_594 = arith.constant 1 : i32
      %dma_start3A_595 = arith.constant 0 : i32
      %dma_start3A_596 = arith.constant 0 : i32
      %dma_start3A_597 = tpu.memref_slice %arg4[%dma_start3A_594, %dma_start3A_595, %dma_start3A_596] : memref<2x16x1024xf32, #tpu.memory_space<vmem>> -> memref<1x16x1024xf32, #tpu.memory_space<vmem>>
      %dma_start3A_598 = tpu.memref_squeeze %dma_start3A_597 : memref<1x16x1024xf32, #tpu.memory_space<vmem>> -> memref<16x1024xf32, #tpu.memory_space<vmem>>
      %dma_start3A_599 = arith.constant 0 : i32
      %dma_start3A_600 = tpu.memref_slice %arg3[%add3A_593, %dma_start3A_599] : memref<16384x1024xf32, #tpu.memory_space<hbm>> -> memref<16x1024xf32, #tpu.memory_space<hbm>>
      %dma_start3A_601 = arith.constant 0 : i32
      %dma_start3A_602 = tpu.memref_slice %arg3[%add3A_593, %dma_start3A_601] : memref<16384x1024xf32, #tpu.memory_space<hbm>> -> memref<16x1024xf32, #tpu.memory_space<hbm>>
      %dma_start3A_603 = arith.constant 0 : i32
      %dma_start3A_604 = arith.constant 0 : i32
      %dma_start3A_605 = tpu.memref_slice %arg4[%dma_start3A_594, %dma_start3A_603, %dma_start3A_604] : memref<2x16x1024xf32, #tpu.memory_space<vmem>> -> memref<1x16x1024xf32, #tpu.memory_space<vmem>>
      %dma_start3A_606 = tpu.memref_squeeze %dma_start3A_605 : memref<1x16x1024xf32, #tpu.memory_space<vmem>> -> memref<16x1024xf32, #tpu.memory_space<vmem>>
      tpu.enqueue_dma source(%dma_start3A_606 : memref<16x1024xf32, #tpu.memory_space<vmem>>) target(%dma_start3A_602 : memref<16x1024xf32, #tpu.memory_space<hbm>>) target_semaphore(%arg9 : memref<!tpu.dma_semaphore, #tpu.memory_space<semaphore_mem>>)
      %mul3A_607 = arith.constant 16 : i32
      %mul3A_608 = arith.muli %add3A_552, %mul3A_607 : i32
      %add3A_609 = arith.addi %add3A_4, %mul3A_608 : i32
      %dma_start3A_610 = arith.constant 1 : i32
      %dma_start3A_611 = arith.constant 0 : i32
      %dma_start3A_612 = tpu.memref_slice %arg3[%add3A_609, %dma_start3A_611] : memref<16384x1024xf32, #tpu.memory_space<hbm>> -> memref<16x1024xf32, #tpu.memory_space<hbm>>
      %dma_start3A_613 = arith.constant 0 : i32
      %dma_start3A_614 = arith.constant 0 : i32
      %dma_start3A_615 = tpu.memref_slice %arg5[%arg1, %dma_start3A_610, %dma_start3A_613, %dma_start3A_614] : memref<16x4x16x1024xf32, #tpu.memory_space<vmem_shared>> -> memref<1x1x16x1024xf32, #tpu.memory_space<vmem_shared>>
      %dma_start3A_616 = tpu.memref_squeeze %dma_start3A_615 : memref<1x1x16x1024xf32, #tpu.memory_space<vmem_shared>> -> memref<16x1024xf32, #tpu.memory_space<vmem_shared>>
      tpu.enqueue_dma source(%dma_start3A_616 : memref<16x1024xf32, #tpu.memory_space<vmem_shared>>) target(%dma_start3A_612 : memref<16x1024xf32, #tpu.memory_space<hbm>>) target_semaphore(%arg15 : memref<!tpu.dma_semaphore, #tpu.memory_space<semaphore_mem>>)
      %add3A_617 = arith.constant 2 : i32
      %add3A_618 = arith.addi %add3A_552, %add3A_617 : i32
      %lt3A_619 = arith.constant 16 : i32
      %lt3A_620 = arith.cmpi slt, %add3A_618, %lt3A_619 : i32
      %convert_element_type3A_621 = arith.extui %lt3A_620 : i1 to i32
      %cond3A_622 = arith.constant 0 : i32
      %cond3A_623 = arith.cmpi ne, %convert_element_type3A_621, %cond3A_622 : i32
      scf.if %cond3A_623 {
        %add3A_796 = arith.constant 2 : i32
        %add3A_797 = arith.addi %add3A_552, %add3A_796 : i32
        %mul3A_798 = arith.constant 16 : i32
        %mul3A_799 = arith.muli %add3A_797, %mul3A_798 : i32
        %add3A_800 = arith.addi %mul3A_2, %mul3A_799 : i32
        %dma_start3A_801 = arith.constant 1 : i32
        %dma_start3A_802 = arith.constant 0 : i32
        %dma_start3A_803 = arith.constant 0 : i32
        %dma_start3A_804 = tpu.memref_slice %arg4[%dma_start3A_801, %dma_start3A_802, %dma_start3A_803] : memref<2x16x1024xf32, #tpu.memory_space<vmem>> -> memref<1x16x1024xf32, #tpu.memory_space<vmem>>
        %dma_start3A_805 = tpu.memref_squeeze %dma_start3A_804 : memref<1x16x1024xf32, #tpu.memory_space<vmem>> -> memref<16x1024xf32, #tpu.memory_space<vmem>>
        %dma_start3A_806 = arith.constant 0 : i32
        %dma_start3A_807 = tpu.memref_slice %arg2[%add3A_800, %dma_start3A_806] : memref<16384x1024xf32, #tpu.memory_space<hbm>> -> memref<16x1024xf32, #tpu.memory_space<hbm>>
        %dma_start3A_808 = arith.constant 0 : i32
        %dma_start3A_809 = arith.constant 0 : i32
        %dma_start3A_810 = tpu.memref_slice %arg4[%dma_start3A_801, %dma_start3A_808, %dma_start3A_809] : memref<2x16x1024xf32, #tpu.memory_space<vmem>> -> memref<1x16x1024xf32, #tpu.memory_space<vmem>>
        %dma_start3A_811 = tpu.memref_squeeze %dma_start3A_810 : memref<1x16x1024xf32, #tpu.memory_space<vmem>> -> memref<16x1024xf32, #tpu.memory_space<vmem>>
        %dma_start3A_812 = arith.constant 0 : i32
        %dma_start3A_813 = tpu.memref_slice %arg2[%add3A_800, %dma_start3A_812] : memref<16384x1024xf32, #tpu.memory_space<hbm>> -> memref<16x1024xf32, #tpu.memory_space<hbm>>
        tpu.enqueue_dma source(%dma_start3A_813 : memref<16x1024xf32, #tpu.memory_space<hbm>>) target(%dma_start3A_811 : memref<16x1024xf32, #tpu.memory_space<vmem>>) target_semaphore(%arg7 : memref<!tpu.dma_semaphore, #tpu.memory_space<semaphore_mem>>)
      } else {
      }
      %add3A_624 = arith.constant 4 : i32
      %add3A_625 = arith.addi %add3A_552, %add3A_624 : i32
      %lt3A_626 = arith.constant 16 : i32
      %lt3A_627 = arith.cmpi slt, %add3A_625, %lt3A_626 : i32
      %convert_element_type3A_628 = arith.extui %lt3A_627 : i1 to i32
      %cond3A_629 = arith.constant 0 : i32
      %cond3A_630 = arith.cmpi ne, %convert_element_type3A_628, %cond3A_629 : i32
      scf.if %cond3A_630 {
        %add3A_796 = arith.constant 4 : i32
        %add3A_797 = arith.addi %add3A_552, %add3A_796 : i32
        %mul3A_798 = arith.constant 16 : i32
        %mul3A_799 = arith.muli %add3A_797, %mul3A_798 : i32
        %add3A_800 = arith.addi %add3A_4, %mul3A_799 : i32
        %dma_start3A_801 = arith.constant 1 : i32
        %dma_start3A_802 = arith.constant 0 : i32
        %dma_start3A_803 = arith.constant 0 : i32
        %dma_start3A_804 = tpu.memref_slice %arg5[%arg1, %dma_start3A_801, %dma_start3A_802, %dma_start3A_803] : memref<16x4x16x1024xf32, #tpu.memory_space<vmem_shared>> -> memref<1x1x16x1024xf32, #tpu.memory_space<vmem_shared>>
        %dma_start3A_805 = tpu.memref_squeeze %dma_start3A_804 : memref<1x1x16x1024xf32, #tpu.memory_space<vmem_shared>> -> memref<16x1024xf32, #tpu.memory_space<vmem_shared>>
        %dma_start3A_806 = arith.constant 0 : i32
        %dma_start3A_807 = tpu.memref_slice %arg2[%add3A_800, %dma_start3A_806] : memref<16384x1024xf32, #tpu.memory_space<hbm>> -> memref<16x1024xf32, #tpu.memory_space<hbm>>
        tpu.enqueue_dma source(%dma_start3A_807 : memref<16x1024xf32, #tpu.memory_space<hbm>>) target(%dma_start3A_805 : memref<16x1024xf32, #tpu.memory_space<vmem_shared>>) target_semaphore(%arg11 : memref<!tpu.dma_semaphore, #tpu.memory_space<semaphore_mem>>)
      } else {
      }
      %mul3A_631 = arith.constant 8 : i32
      %mul3A_632 = arith.muli %scan3A_141, %mul3A_631 : i32
      %add3A_633 = arith.constant 6 : i32
      %add3A_634 = arith.addi %mul3A_632, %add3A_633 : i32
      %mul3A_635 = arith.constant 16 : i32
      %mul3A_636 = arith.muli %add3A_634, %mul3A_635 : i32
      %add3A_637 = arith.addi %mul3A_2, %mul3A_636 : i32
      %dma_wait3A_638 = arith.constant 0 : i32
      %dma_wait3A_639 = arith.constant 0 : i32
      %dma_wait3A_640 = arith.constant 0 : i32
      %dma_wait3A_641 = tpu.memref_slice %arg4[%dma_wait3A_638, %dma_wait3A_639, %dma_wait3A_640] : memref<2x16x1024xf32, #tpu.memory_space<vmem>> -> memref<1x16x1024xf32, #tpu.memory_space<vmem>>
      %dma_wait3A_642 = tpu.memref_squeeze %dma_wait3A_641 : memref<1x16x1024xf32, #tpu.memory_space<vmem>> -> memref<16x1024xf32, #tpu.memory_space<vmem>>
      %dma_wait3A_643 = arith.constant 0 : i32
      %dma_wait3A_644 = tpu.memref_slice %arg2[%add3A_637, %dma_wait3A_643] : memref<16384x1024xf32, #tpu.memory_space<hbm>> -> memref<16x1024xf32, #tpu.memory_space<hbm>>
      %dma_wait3A_645 = arith.constant 0 : i32
      %dma_wait3A_646 = arith.constant 0 : i32
      %dma_wait3A_647 = tpu.memref_slice %arg4[%dma_wait3A_638, %dma_wait3A_645, %dma_wait3A_646] : memref<2x16x1024xf32, #tpu.memory_space<vmem>> -> memref<1x16x1024xf32, #tpu.memory_space<vmem>>
      %dma_wait3A_648 = tpu.memref_squeeze %dma_wait3A_647 : memref<1x16x1024xf32, #tpu.memory_space<vmem>> -> memref<16x1024xf32, #tpu.memory_space<vmem>>
      %dma_wait3A_649 = arith.constant 0 : i32
      %dma_wait3A_650 = tpu.memref_slice %arg2[%add3A_637, %dma_wait3A_649] : memref<16384x1024xf32, #tpu.memory_space<hbm>> -> memref<16x1024xf32, #tpu.memory_space<hbm>>
      tpu.wait_dma2 semaphore(%arg6 : memref<!tpu.dma_semaphore, #tpu.memory_space<semaphore_mem>>) src(%dma_wait3A_650 : memref<16x1024xf32, #tpu.memory_space<hbm>>) dst(%dma_wait3A_648 : memref<16x1024xf32, #tpu.memory_space<vmem>>)
      %mul3A_651 = arith.constant 16 : i32
      %mul3A_652 = arith.muli %add3A_634, %mul3A_651 : i32
      %add3A_653 = arith.addi %add3A_4, %mul3A_652 : i32
      %dma_wait3A_654 = arith.constant 2 : i32
      %dma_wait3A_655 = arith.constant 0 : i32
      %dma_wait3A_656 = arith.constant 0 : i32
      %dma_wait3A_657 = tpu.memref_slice %arg5[%arg1, %dma_wait3A_654, %dma_wait3A_655, %dma_wait3A_656] : memref<16x4x16x1024xf32, #tpu.memory_space<vmem_shared>> -> memref<1x1x16x1024xf32, #tpu.memory_space<vmem_shared>>
      %dma_wait3A_658 = tpu.memref_squeeze %dma_wait3A_657 : memref<1x1x16x1024xf32, #tpu.memory_space<vmem_shared>> -> memref<16x1024xf32, #tpu.memory_space<vmem_shared>>
      %dma_wait3A_659 = arith.constant 0 : i32
      %dma_wait3A_660 = tpu.memref_slice %arg2[%add3A_653, %dma_wait3A_659] : memref<16384x1024xf32, #tpu.memory_space<hbm>> -> memref<16x1024xf32, #tpu.memory_space<hbm>>
      tpu.wait_dma2 semaphore(%arg12 : memref<!tpu.dma_semaphore, #tpu.memory_space<semaphore_mem>>) src(%dma_wait3A_660 : memref<16x1024xf32, #tpu.memory_space<hbm>>) dst(%dma_wait3A_658 : memref<16x1024xf32, #tpu.memory_space<vmem_shared>>)
      %ge3A_661 = arith.constant 2 : i32
      %ge3A_662 = arith.cmpi sge, %add3A_634, %ge3A_661 : i32
      %convert_element_type3A_663 = arith.extui %ge3A_662 : i1 to i32
      %cond3A_664 = arith.constant 0 : i32
      %cond3A_665 = arith.constant 0 : i32
      %cond3A_666 = arith.cmpi ne, %convert_element_type3A_663, %cond3A_665 : i32
      scf.if %cond3A_666 {
        %sub3A = arith.constant 2 : i32
        %sub3A_796 = arith.subi %add3A_634, %sub3A : i32
        %mul3A_797 = arith.constant 16 : i32
        %mul3A_798 = arith.muli %sub3A_796, %mul3A_797 : i32
        %add3A_799 = arith.addi %mul3A_2, %mul3A_798 : i32
        %dma_wait3A_800 = arith.constant 0 : i32
        %dma_wait3A_801 = arith.constant 0 : i32
        %dma_wait3A_802 = tpu.memref_slice %arg4[%cond3A_664, %dma_wait3A_800, %dma_wait3A_801] : memref<2x16x1024xf32, #tpu.memory_space<vmem>> -> memref<1x16x1024xf32, #tpu.memory_space<vmem>>
        %dma_wait3A_803 = tpu.memref_squeeze %dma_wait3A_802 : memref<1x16x1024xf32, #tpu.memory_space<vmem>> -> memref<16x1024xf32, #tpu.memory_space<vmem>>
        %dma_wait3A_804 = arith.constant 0 : i32
        %dma_wait3A_805 = tpu.memref_slice %arg3[%add3A_799, %dma_wait3A_804] : memref<16384x1024xf32, #tpu.memory_space<hbm>> -> memref<16x1024xf32, #tpu.memory_space<hbm>>
        %dma_wait3A_806 = arith.constant 0 : i32
        %dma_wait3A_807 = tpu.memref_slice %arg3[%add3A_799, %dma_wait3A_806] : memref<16384x1024xf32, #tpu.memory_space<hbm>> -> memref<16x1024xf32, #tpu.memory_space<hbm>>
        %dma_wait3A_808 = arith.constant 0 : i32
        %dma_wait3A_809 = arith.constant 0 : i32
        %dma_wait3A_810 = tpu.memref_slice %arg4[%cond3A_664, %dma_wait3A_808, %dma_wait3A_809] : memref<2x16x1024xf32, #tpu.memory_space<vmem>> -> memref<1x16x1024xf32, #tpu.memory_space<vmem>>
        %dma_wait3A_811 = tpu.memref_squeeze %dma_wait3A_810 : memref<1x16x1024xf32, #tpu.memory_space<vmem>> -> memref<16x1024xf32, #tpu.memory_space<vmem>>
        tpu.wait_dma2 semaphore(%arg8 : memref<!tpu.dma_semaphore, #tpu.memory_space<semaphore_mem>>) src(%dma_wait3A_811 : memref<16x1024xf32, #tpu.memory_space<vmem>>) dst(%dma_wait3A_807 : memref<16x1024xf32, #tpu.memory_space<hbm>>)
      } else {
      }
      %ge3A_667 = arith.constant 4 : i32
      %ge3A_668 = arith.cmpi sge, %add3A_634, %ge3A_667 : i32
      %convert_element_type3A_669 = arith.extui %ge3A_668 : i1 to i32
      %cond3A_670 = arith.constant 2 : i32
      %cond3A_671 = arith.constant 0 : i32
      %cond3A_672 = arith.cmpi ne, %convert_element_type3A_669, %cond3A_671 : i32
      scf.if %cond3A_672 {
        %sub3A = arith.constant 4 : i32
        %sub3A_796 = arith.subi %add3A_634, %sub3A : i32
        %mul3A_797 = arith.constant 16 : i32
        %mul3A_798 = arith.muli %sub3A_796, %mul3A_797 : i32
        %add3A_799 = arith.addi %add3A_4, %mul3A_798 : i32
        %dma_wait3A_800 = arith.constant 0 : i32
        %dma_wait3A_801 = tpu.memref_slice %arg3[%add3A_799, %dma_wait3A_800] : memref<16384x1024xf32, #tpu.memory_space<hbm>> -> memref<16x1024xf32, #tpu.memory_space<hbm>>
        %dma_wait3A_802 = arith.constant 0 : i32
        %dma_wait3A_803 = arith.constant 0 : i32
        %dma_wait3A_804 = tpu.memref_slice %arg5[%arg1, %cond3A_670, %dma_wait3A_802, %dma_wait3A_803] : memref<16x4x16x1024xf32, #tpu.memory_space<vmem_shared>> -> memref<1x1x16x1024xf32, #tpu.memory_space<vmem_shared>>
        %dma_wait3A_805 = tpu.memref_squeeze %dma_wait3A_804 : memref<1x1x16x1024xf32, #tpu.memory_space<vmem_shared>> -> memref<16x1024xf32, #tpu.memory_space<vmem_shared>>
        tpu.wait_dma2 semaphore(%arg16 : memref<!tpu.dma_semaphore, #tpu.memory_space<semaphore_mem>>) src(%dma_wait3A_805 : memref<16x1024xf32, #tpu.memory_space<vmem_shared>>) dst(%dma_wait3A_801 : memref<16x1024xf32, #tpu.memory_space<hbm>>)
      } else {
      }
      %mul3A_673 = arith.constant 16 : i32
      %mul3A_674 = arith.muli %add3A_634, %mul3A_673 : i32
      %add3A_675 = arith.addi %mul3A_2, %mul3A_674 : i32
      %dma_start3A_676 = arith.constant 0 : i32
      %dma_start3A_677 = arith.constant 0 : i32
      %dma_start3A_678 = arith.constant 0 : i32
      %dma_start3A_679 = tpu.memref_slice %arg4[%dma_start3A_676, %dma_start3A_677, %dma_start3A_678] : memref<2x16x1024xf32, #tpu.memory_space<vmem>> -> memref<1x16x1024xf32, #tpu.memory_space<vmem>>
      %dma_start3A_680 = tpu.memref_squeeze %dma_start3A_679 : memref<1x16x1024xf32, #tpu.memory_space<vmem>> -> memref<16x1024xf32, #tpu.memory_space<vmem>>
      %dma_start3A_681 = arith.constant 0 : i32
      %dma_start3A_682 = tpu.memref_slice %arg3[%add3A_675, %dma_start3A_681] : memref<16384x1024xf32, #tpu.memory_space<hbm>> -> memref<16x1024xf32, #tpu.memory_space<hbm>>
      %dma_start3A_683 = arith.constant 0 : i32
      %dma_start3A_684 = tpu.memref_slice %arg3[%add3A_675, %dma_start3A_683] : memref<16384x1024xf32, #tpu.memory_space<hbm>> -> memref<16x1024xf32, #tpu.memory_space<hbm>>
      %dma_start3A_685 = arith.constant 0 : i32
      %dma_start3A_686 = arith.constant 0 : i32
      %dma_start3A_687 = tpu.memref_slice %arg4[%dma_start3A_676, %dma_start3A_685, %dma_start3A_686] : memref<2x16x1024xf32, #tpu.memory_space<vmem>> -> memref<1x16x1024xf32, #tpu.memory_space<vmem>>
      %dma_start3A_688 = tpu.memref_squeeze %dma_start3A_687 : memref<1x16x1024xf32, #tpu.memory_space<vmem>> -> memref<16x1024xf32, #tpu.memory_space<vmem>>
      tpu.enqueue_dma source(%dma_start3A_688 : memref<16x1024xf32, #tpu.memory_space<vmem>>) target(%dma_start3A_684 : memref<16x1024xf32, #tpu.memory_space<hbm>>) target_semaphore(%arg8 : memref<!tpu.dma_semaphore, #tpu.memory_space<semaphore_mem>>)
      %mul3A_689 = arith.constant 16 : i32
      %mul3A_690 = arith.muli %add3A_634, %mul3A_689 : i32
      %add3A_691 = arith.addi %add3A_4, %mul3A_690 : i32
      %dma_start3A_692 = arith.constant 2 : i32
      %dma_start3A_693 = arith.constant 0 : i32
      %dma_start3A_694 = tpu.memref_slice %arg3[%add3A_691, %dma_start3A_693] : memref<16384x1024xf32, #tpu.memory_space<hbm>> -> memref<16x1024xf32, #tpu.memory_space<hbm>>
      %dma_start3A_695 = arith.constant 0 : i32
      %dma_start3A_696 = arith.constant 0 : i32
      %dma_start3A_697 = tpu.memref_slice %arg5[%arg1, %dma_start3A_692, %dma_start3A_695, %dma_start3A_696] : memref<16x4x16x1024xf32, #tpu.memory_space<vmem_shared>> -> memref<1x1x16x1024xf32, #tpu.memory_space<vmem_shared>>
      %dma_start3A_698 = tpu.memref_squeeze %dma_start3A_697 : memref<1x1x16x1024xf32, #tpu.memory_space<vmem_shared>> -> memref<16x1024xf32, #tpu.memory_space<vmem_shared>>
      tpu.enqueue_dma source(%dma_start3A_698 : memref<16x1024xf32, #tpu.memory_space<vmem_shared>>) target(%dma_start3A_694 : memref<16x1024xf32, #tpu.memory_space<hbm>>) target_semaphore(%arg16 : memref<!tpu.dma_semaphore, #tpu.memory_space<semaphore_mem>>)
      %add3A_699 = arith.constant 2 : i32
      %add3A_700 = arith.addi %add3A_634, %add3A_699 : i32
      %lt3A_701 = arith.constant 16 : i32
      %lt3A_702 = arith.cmpi slt, %add3A_700, %lt3A_701 : i32
      %convert_element_type3A_703 = arith.extui %lt3A_702 : i1 to i32
      %cond3A_704 = arith.constant 0 : i32
      %cond3A_705 = arith.cmpi ne, %convert_element_type3A_703, %cond3A_704 : i32
      scf.if %cond3A_705 {
        %add3A_796 = arith.constant 2 : i32
        %add3A_797 = arith.addi %add3A_634, %add3A_796 : i32
        %mul3A_798 = arith.constant 16 : i32
        %mul3A_799 = arith.muli %add3A_797, %mul3A_798 : i32
        %add3A_800 = arith.addi %mul3A_2, %mul3A_799 : i32
        %dma_start3A_801 = arith.constant 0 : i32
        %dma_start3A_802 = arith.constant 0 : i32
        %dma_start3A_803 = arith.constant 0 : i32
        %dma_start3A_804 = tpu.memref_slice %arg4[%dma_start3A_801, %dma_start3A_802, %dma_start3A_803] : memref<2x16x1024xf32, #tpu.memory_space<vmem>> -> memref<1x16x1024xf32, #tpu.memory_space<vmem>>
        %dma_start3A_805 = tpu.memref_squeeze %dma_start3A_804 : memref<1x16x1024xf32, #tpu.memory_space<vmem>> -> memref<16x1024xf32, #tpu.memory_space<vmem>>
        %dma_start3A_806 = arith.constant 0 : i32
        %dma_start3A_807 = tpu.memref_slice %arg2[%add3A_800, %dma_start3A_806] : memref<16384x1024xf32, #tpu.memory_space<hbm>> -> memref<16x1024xf32, #tpu.memory_space<hbm>>
        %dma_start3A_808 = arith.constant 0 : i32
        %dma_start3A_809 = arith.constant 0 : i32
        %dma_start3A_810 = tpu.memref_slice %arg4[%dma_start3A_801, %dma_start3A_808, %dma_start3A_809] : memref<2x16x1024xf32, #tpu.memory_space<vmem>> -> memref<1x16x1024xf32, #tpu.memory_space<vmem>>
        %dma_start3A_811 = tpu.memref_squeeze %dma_start3A_810 : memref<1x16x1024xf32, #tpu.memory_space<vmem>> -> memref<16x1024xf32, #tpu.memory_space<vmem>>
        %dma_start3A_812 = arith.constant 0 : i32
        %dma_start3A_813 = tpu.memref_slice %arg2[%add3A_800, %dma_start3A_812] : memref<16384x1024xf32, #tpu.memory_space<hbm>> -> memref<16x1024xf32, #tpu.memory_space<hbm>>
        tpu.enqueue_dma source(%dma_start3A_813 : memref<16x1024xf32, #tpu.memory_space<hbm>>) target(%dma_start3A_811 : memref<16x1024xf32, #tpu.memory_space<vmem>>) target_semaphore(%arg6 : memref<!tpu.dma_semaphore, #tpu.memory_space<semaphore_mem>>)
      } else {
      }
      %add3A_706 = arith.constant 4 : i32
      %add3A_707 = arith.addi %add3A_634, %add3A_706 : i32
      %lt3A_708 = arith.constant 16 : i32
      %lt3A_709 = arith.cmpi slt, %add3A_707, %lt3A_708 : i32
      %convert_element_type3A_710 = arith.extui %lt3A_709 : i1 to i32
      %cond3A_711 = arith.constant 0 : i32
      %cond3A_712 = arith.cmpi ne, %convert_element_type3A_710, %cond3A_711 : i32
      scf.if %cond3A_712 {
        %add3A_796 = arith.constant 4 : i32
        %add3A_797 = arith.addi %add3A_634, %add3A_796 : i32
        %mul3A_798 = arith.constant 16 : i32
        %mul3A_799 = arith.muli %add3A_797, %mul3A_798 : i32
        %add3A_800 = arith.addi %add3A_4, %mul3A_799 : i32
        %dma_start3A_801 = arith.constant 2 : i32
        %dma_start3A_802 = arith.constant 0 : i32
        %dma_start3A_803 = arith.constant 0 : i32
        %dma_start3A_804 = tpu.memref_slice %arg5[%arg1, %dma_start3A_801, %dma_start3A_802, %dma_start3A_803] : memref<16x4x16x1024xf32, #tpu.memory_space<vmem_shared>> -> memref<1x1x16x1024xf32, #tpu.memory_space<vmem_shared>>
        %dma_start3A_805 = tpu.memref_squeeze %dma_start3A_804 : memref<1x1x16x1024xf32, #tpu.memory_space<vmem_shared>> -> memref<16x1024xf32, #tpu.memory_space<vmem_shared>>
        %dma_start3A_806 = arith.constant 0 : i32
        %dma_start3A_807 = tpu.memref_slice %arg2[%add3A_800, %dma_start3A_806] : memref<16384x1024xf32, #tpu.memory_space<hbm>> -> memref<16x1024xf32, #tpu.memory_space<hbm>>
        tpu.enqueue_dma source(%dma_start3A_807 : memref<16x1024xf32, #tpu.memory_space<hbm>>) target(%dma_start3A_805 : memref<16x1024xf32, #tpu.memory_space<vmem_shared>>) target_semaphore(%arg12 : memref<!tpu.dma_semaphore, #tpu.memory_space<semaphore_mem>>)
      } else {
      }
      %mul3A_713 = arith.constant 8 : i32
      %mul3A_714 = arith.muli %scan3A_141, %mul3A_713 : i32
      %add3A_715 = arith.constant 7 : i32
      %add3A_716 = arith.addi %mul3A_714, %add3A_715 : i32
      %mul3A_717 = arith.constant 16 : i32
      %mul3A_718 = arith.muli %add3A_716, %mul3A_717 : i32
      %add3A_719 = arith.addi %mul3A_2, %mul3A_718 : i32
      %dma_wait3A_720 = arith.constant 1 : i32
      %dma_wait3A_721 = arith.constant 0 : i32
      %dma_wait3A_722 = arith.constant 0 : i32
      %dma_wait3A_723 = tpu.memref_slice %arg4[%dma_wait3A_720, %dma_wait3A_721, %dma_wait3A_722] : memref<2x16x1024xf32, #tpu.memory_space<vmem>> -> memref<1x16x1024xf32, #tpu.memory_space<vmem>>
      %dma_wait3A_724 = tpu.memref_squeeze %dma_wait3A_723 : memref<1x16x1024xf32, #tpu.memory_space<vmem>> -> memref<16x1024xf32, #tpu.memory_space<vmem>>
      %dma_wait3A_725 = arith.constant 0 : i32
      %dma_wait3A_726 = tpu.memref_slice %arg2[%add3A_719, %dma_wait3A_725] : memref<16384x1024xf32, #tpu.memory_space<hbm>> -> memref<16x1024xf32, #tpu.memory_space<hbm>>
      %dma_wait3A_727 = arith.constant 0 : i32
      %dma_wait3A_728 = arith.constant 0 : i32
      %dma_wait3A_729 = tpu.memref_slice %arg4[%dma_wait3A_720, %dma_wait3A_727, %dma_wait3A_728] : memref<2x16x1024xf32, #tpu.memory_space<vmem>> -> memref<1x16x1024xf32, #tpu.memory_space<vmem>>
      %dma_wait3A_730 = tpu.memref_squeeze %dma_wait3A_729 : memref<1x16x1024xf32, #tpu.memory_space<vmem>> -> memref<16x1024xf32, #tpu.memory_space<vmem>>
      %dma_wait3A_731 = arith.constant 0 : i32
      %dma_wait3A_732 = tpu.memref_slice %arg2[%add3A_719, %dma_wait3A_731] : memref<16384x1024xf32, #tpu.memory_space<hbm>> -> memref<16x1024xf32, #tpu.memory_space<hbm>>
      tpu.wait_dma2 semaphore(%arg7 : memref<!tpu.dma_semaphore, #tpu.memory_space<semaphore_mem>>) src(%dma_wait3A_732 : memref<16x1024xf32, #tpu.memory_space<hbm>>) dst(%dma_wait3A_730 : memref<16x1024xf32, #tpu.memory_space<vmem>>)
      %mul3A_733 = arith.constant 16 : i32
      %mul3A_734 = arith.muli %add3A_716, %mul3A_733 : i32
      %add3A_735 = arith.addi %add3A_4, %mul3A_734 : i32
      %dma_wait3A_736 = arith.constant 3 : i32
      %dma_wait3A_737 = arith.constant 0 : i32
      %dma_wait3A_738 = arith.constant 0 : i32
      %dma_wait3A_739 = tpu.memref_slice %arg5[%arg1, %dma_wait3A_736, %dma_wait3A_737, %dma_wait3A_738] : memref<16x4x16x1024xf32, #tpu.memory_space<vmem_shared>> -> memref<1x1x16x1024xf32, #tpu.memory_space<vmem_shared>>
      %dma_wait3A_740 = tpu.memref_squeeze %dma_wait3A_739 : memref<1x1x16x1024xf32, #tpu.memory_space<vmem_shared>> -> memref<16x1024xf32, #tpu.memory_space<vmem_shared>>
      %dma_wait3A_741 = arith.constant 0 : i32
      %dma_wait3A_742 = tpu.memref_slice %arg2[%add3A_735, %dma_wait3A_741] : memref<16384x1024xf32, #tpu.memory_space<hbm>> -> memref<16x1024xf32, #tpu.memory_space<hbm>>
      tpu.wait_dma2 semaphore(%arg13 : memref<!tpu.dma_semaphore, #tpu.memory_space<semaphore_mem>>) src(%dma_wait3A_742 : memref<16x1024xf32, #tpu.memory_space<hbm>>) dst(%dma_wait3A_740 : memref<16x1024xf32, #tpu.memory_space<vmem_shared>>)
      %ge3A_743 = arith.constant 2 : i32
      %ge3A_744 = arith.cmpi sge, %add3A_716, %ge3A_743 : i32
      %convert_element_type3A_745 = arith.extui %ge3A_744 : i1 to i32
      %cond3A_746 = arith.constant 1 : i32
      %cond3A_747 = arith.constant 0 : i32
      %cond3A_748 = arith.cmpi ne, %convert_element_type3A_745, %cond3A_747 : i32
      scf.if %cond3A_748 {
        %sub3A = arith.constant 2 : i32
        %sub3A_796 = arith.subi %add3A_716, %sub3A : i32
        %mul3A_797 = arith.constant 16 : i32
        %mul3A_798 = arith.muli %sub3A_796, %mul3A_797 : i32
        %add3A_799 = arith.addi %mul3A_2, %mul3A_798 : i32
        %dma_wait3A_800 = arith.constant 0 : i32
        %dma_wait3A_801 = arith.constant 0 : i32
        %dma_wait3A_802 = tpu.memref_slice %arg4[%cond3A_746, %dma_wait3A_800, %dma_wait3A_801] : memref<2x16x1024xf32, #tpu.memory_space<vmem>> -> memref<1x16x1024xf32, #tpu.memory_space<vmem>>
        %dma_wait3A_803 = tpu.memref_squeeze %dma_wait3A_802 : memref<1x16x1024xf32, #tpu.memory_space<vmem>> -> memref<16x1024xf32, #tpu.memory_space<vmem>>
        %dma_wait3A_804 = arith.constant 0 : i32
        %dma_wait3A_805 = tpu.memref_slice %arg3[%add3A_799, %dma_wait3A_804] : memref<16384x1024xf32, #tpu.memory_space<hbm>> -> memref<16x1024xf32, #tpu.memory_space<hbm>>
        %dma_wait3A_806 = arith.constant 0 : i32
        %dma_wait3A_807 = tpu.memref_slice %arg3[%add3A_799, %dma_wait3A_806] : memref<16384x1024xf32, #tpu.memory_space<hbm>> -> memref<16x1024xf32, #tpu.memory_space<hbm>>
        %dma_wait3A_808 = arith.constant 0 : i32
        %dma_wait3A_809 = arith.constant 0 : i32
        %dma_wait3A_810 = tpu.memref_slice %arg4[%cond3A_746, %dma_wait3A_808, %dma_wait3A_809] : memref<2x16x1024xf32, #tpu.memory_space<vmem>> -> memref<1x16x1024xf32, #tpu.memory_space<vmem>>
        %dma_wait3A_811 = tpu.memref_squeeze %dma_wait3A_810 : memref<1x16x1024xf32, #tpu.memory_space<vmem>> -> memref<16x1024xf32, #tpu.memory_space<vmem>>
        tpu.wait_dma2 semaphore(%arg9 : memref<!tpu.dma_semaphore, #tpu.memory_space<semaphore_mem>>) src(%dma_wait3A_811 : memref<16x1024xf32, #tpu.memory_space<vmem>>) dst(%dma_wait3A_807 : memref<16x1024xf32, #tpu.memory_space<hbm>>)
      } else {
      }
      %ge3A_749 = arith.constant 4 : i32
      %ge3A_750 = arith.cmpi sge, %add3A_716, %ge3A_749 : i32
      %convert_element_type3A_751 = arith.extui %ge3A_750 : i1 to i32
      %cond3A_752 = arith.constant 3 : i32
      %cond3A_753 = arith.constant 0 : i32
      %cond3A_754 = arith.cmpi ne, %convert_element_type3A_751, %cond3A_753 : i32
      scf.if %cond3A_754 {
        %sub3A = arith.constant 4 : i32
        %sub3A_796 = arith.subi %add3A_716, %sub3A : i32
        %mul3A_797 = arith.constant 16 : i32
        %mul3A_798 = arith.muli %sub3A_796, %mul3A_797 : i32
        %add3A_799 = arith.addi %add3A_4, %mul3A_798 : i32
        %dma_wait3A_800 = arith.constant 0 : i32
        %dma_wait3A_801 = tpu.memref_slice %arg3[%add3A_799, %dma_wait3A_800] : memref<16384x1024xf32, #tpu.memory_space<hbm>> -> memref<16x1024xf32, #tpu.memory_space<hbm>>
        %dma_wait3A_802 = arith.constant 0 : i32
        %dma_wait3A_803 = arith.constant 0 : i32
        %dma_wait3A_804 = tpu.memref_slice %arg5[%arg1, %cond3A_752, %dma_wait3A_802, %dma_wait3A_803] : memref<16x4x16x1024xf32, #tpu.memory_space<vmem_shared>> -> memref<1x1x16x1024xf32, #tpu.memory_space<vmem_shared>>
        %dma_wait3A_805 = tpu.memref_squeeze %dma_wait3A_804 : memref<1x1x16x1024xf32, #tpu.memory_space<vmem_shared>> -> memref<16x1024xf32, #tpu.memory_space<vmem_shared>>
        tpu.wait_dma2 semaphore(%arg17 : memref<!tpu.dma_semaphore, #tpu.memory_space<semaphore_mem>>) src(%dma_wait3A_805 : memref<16x1024xf32, #tpu.memory_space<vmem_shared>>) dst(%dma_wait3A_801 : memref<16x1024xf32, #tpu.memory_space<hbm>>)
      } else {
      }
      %mul3A_755 = arith.constant 16 : i32
      %mul3A_756 = arith.muli %add3A_716, %mul3A_755 : i32
      %add3A_757 = arith.addi %mul3A_2, %mul3A_756 : i32
      %dma_start3A_758 = arith.constant 1 : i32
      %dma_start3A_759 = arith.constant 0 : i32
      %dma_start3A_760 = arith.constant 0 : i32
      %dma_start3A_761 = tpu.memref_slice %arg4[%dma_start3A_758, %dma_start3A_759, %dma_start3A_760] : memref<2x16x1024xf32, #tpu.memory_space<vmem>> -> memref<1x16x1024xf32, #tpu.memory_space<vmem>>
      %dma_start3A_762 = tpu.memref_squeeze %dma_start3A_761 : memref<1x16x1024xf32, #tpu.memory_space<vmem>> -> memref<16x1024xf32, #tpu.memory_space<vmem>>
      %dma_start3A_763 = arith.constant 0 : i32
      %dma_start3A_764 = tpu.memref_slice %arg3[%add3A_757, %dma_start3A_763] : memref<16384x1024xf32, #tpu.memory_space<hbm>> -> memref<16x1024xf32, #tpu.memory_space<hbm>>
      %dma_start3A_765 = arith.constant 0 : i32
      %dma_start3A_766 = tpu.memref_slice %arg3[%add3A_757, %dma_start3A_765] : memref<16384x1024xf32, #tpu.memory_space<hbm>> -> memref<16x1024xf32, #tpu.memory_space<hbm>>
      %dma_start3A_767 = arith.constant 0 : i32
      %dma_start3A_768 = arith.constant 0 : i32
      %dma_start3A_769 = tpu.memref_slice %arg4[%dma_start3A_758, %dma_start3A_767, %dma_start3A_768] : memref<2x16x1024xf32, #tpu.memory_space<vmem>> -> memref<1x16x1024xf32, #tpu.memory_space<vmem>>
      %dma_start3A_770 = tpu.memref_squeeze %dma_start3A_769 : memref<1x16x1024xf32, #tpu.memory_space<vmem>> -> memref<16x1024xf32, #tpu.memory_space<vmem>>
      tpu.enqueue_dma source(%dma_start3A_770 : memref<16x1024xf32, #tpu.memory_space<vmem>>) target(%dma_start3A_766 : memref<16x1024xf32, #tpu.memory_space<hbm>>) target_semaphore(%arg9 : memref<!tpu.dma_semaphore, #tpu.memory_space<semaphore_mem>>)
      %mul3A_771 = arith.constant 16 : i32
      %mul3A_772 = arith.muli %add3A_716, %mul3A_771 : i32
      %add3A_773 = arith.addi %add3A_4, %mul3A_772 : i32
      %dma_start3A_774 = arith.constant 3 : i32
      %dma_start3A_775 = arith.constant 0 : i32
      %dma_start3A_776 = tpu.memref_slice %arg3[%add3A_773, %dma_start3A_775] : memref<16384x1024xf32, #tpu.memory_space<hbm>> -> memref<16x1024xf32, #tpu.memory_space<hbm>>
      %dma_start3A_777 = arith.constant 0 : i32
      %dma_start3A_778 = arith.constant 0 : i32
      %dma_start3A_779 = tpu.memref_slice %arg5[%arg1, %dma_start3A_774, %dma_start3A_777, %dma_start3A_778] : memref<16x4x16x1024xf32, #tpu.memory_space<vmem_shared>> -> memref<1x1x16x1024xf32, #tpu.memory_space<vmem_shared>>
      %dma_start3A_780 = tpu.memref_squeeze %dma_start3A_779 : memref<1x1x16x1024xf32, #tpu.memory_space<vmem_shared>> -> memref<16x1024xf32, #tpu.memory_space<vmem_shared>>
      tpu.enqueue_dma source(%dma_start3A_780 : memref<16x1024xf32, #tpu.memory_space<vmem_shared>>) target(%dma_start3A_776 : memref<16x1024xf32, #tpu.memory_space<hbm>>) target_semaphore(%arg17 : memref<!tpu.dma_semaphore, #tpu.memory_space<semaphore_mem>>)
      %add3A_781 = arith.constant 2 : i32
      %add3A_782 = arith.addi %add3A_716, %add3A_781 : i32
      %lt3A_783 = arith.constant 16 : i32
      %lt3A_784 = arith.cmpi slt, %add3A_782, %lt3A_783 : i32
      %convert_element_type3A_785 = arith.extui %lt3A_784 : i1 to i32
      %cond3A_786 = arith.constant 0 : i32
      %cond3A_787 = arith.cmpi ne, %convert_element_type3A_785, %cond3A_786 : i32
      scf.if %cond3A_787 {
        %add3A_796 = arith.constant 2 : i32
        %add3A_797 = arith.addi %add3A_716, %add3A_796 : i32
        %mul3A_798 = arith.constant 16 : i32
        %mul3A_799 = arith.muli %add3A_797, %mul3A_798 : i32
        %add3A_800 = arith.addi %mul3A_2, %mul3A_799 : i32
        %dma_start3A_801 = arith.constant 1 : i32
        %dma_start3A_802 = arith.constant 0 : i32
        %dma_start3A_803 = arith.constant 0 : i32
        %dma_start3A_804 = tpu.memref_slice %arg4[%dma_start3A_801, %dma_start3A_802, %dma_start3A_803] : memref<2x16x1024xf32, #tpu.memory_space<vmem>> -> memref<1x16x1024xf32, #tpu.memory_space<vmem>>
        %dma_start3A_805 = tpu.memref_squeeze %dma_start3A_804 : memref<1x16x1024xf32, #tpu.memory_space<vmem>> -> memref<16x1024xf32, #tpu.memory_space<vmem>>
        %dma_start3A_806 = arith.constant 0 : i32
        %dma_start3A_807 = tpu.memref_slice %arg2[%add3A_800, %dma_start3A_806] : memref<16384x1024xf32, #tpu.memory_space<hbm>> -> memref<16x1024xf32, #tpu.memory_space<hbm>>
        %dma_start3A_808 = arith.constant 0 : i32
        %dma_start3A_809 = arith.constant 0 : i32
        %dma_start3A_810 = tpu.memref_slice %arg4[%dma_start3A_801, %dma_start3A_808, %dma_start3A_809] : memref<2x16x1024xf32, #tpu.memory_space<vmem>> -> memref<1x16x1024xf32, #tpu.memory_space<vmem>>
        %dma_start3A_811 = tpu.memref_squeeze %dma_start3A_810 : memref<1x16x1024xf32, #tpu.memory_space<vmem>> -> memref<16x1024xf32, #tpu.memory_space<vmem>>
        %dma_start3A_812 = arith.constant 0 : i32
        %dma_start3A_813 = tpu.memref_slice %arg2[%add3A_800, %dma_start3A_812] : memref<16384x1024xf32, #tpu.memory_space<hbm>> -> memref<16x1024xf32, #tpu.memory_space<hbm>>
        tpu.enqueue_dma source(%dma_start3A_813 : memref<16x1024xf32, #tpu.memory_space<hbm>>) target(%dma_start3A_811 : memref<16x1024xf32, #tpu.memory_space<vmem>>) target_semaphore(%arg7 : memref<!tpu.dma_semaphore, #tpu.memory_space<semaphore_mem>>)
      } else {
      }
      %add3A_788 = arith.constant 4 : i32
      %add3A_789 = arith.addi %add3A_716, %add3A_788 : i32
      %lt3A_790 = arith.constant 16 : i32
      %lt3A_791 = arith.cmpi slt, %add3A_789, %lt3A_790 : i32
      %convert_element_type3A_792 = arith.extui %lt3A_791 : i1 to i32
      %cond3A_793 = arith.constant 0 : i32
      %cond3A_794 = arith.cmpi ne, %convert_element_type3A_792, %cond3A_793 : i32
      scf.if %cond3A_794 {
        %add3A_796 = arith.constant 4 : i32
        %add3A_797 = arith.addi %add3A_716, %add3A_796 : i32
        %mul3A_798 = arith.constant 16 : i32
        %mul3A_799 = arith.muli %add3A_797, %mul3A_798 : i32
        %add3A_800 = arith.addi %add3A_4, %mul3A_799 : i32
        %dma_start3A_801 = arith.constant 3 : i32
        %dma_start3A_802 = arith.constant 0 : i32
        %dma_start3A_803 = arith.constant 0 : i32
        %dma_start3A_804 = tpu.memref_slice %arg5[%arg1, %dma_start3A_801, %dma_start3A_802, %dma_start3A_803] : memref<16x4x16x1024xf32, #tpu.memory_space<vmem_shared>> -> memref<1x1x16x1024xf32, #tpu.memory_space<vmem_shared>>
        %dma_start3A_805 = tpu.memref_squeeze %dma_start3A_804 : memref<1x1x16x1024xf32, #tpu.memory_space<vmem_shared>> -> memref<16x1024xf32, #tpu.memory_space<vmem_shared>>
        %dma_start3A_806 = arith.constant 0 : i32
        %dma_start3A_807 = tpu.memref_slice %arg2[%add3A_800, %dma_start3A_806] : memref<16384x1024xf32, #tpu.memory_space<hbm>> -> memref<16x1024xf32, #tpu.memory_space<hbm>>
        tpu.enqueue_dma source(%dma_start3A_807 : memref<16x1024xf32, #tpu.memory_space<hbm>>) target(%dma_start3A_805 : memref<16x1024xf32, #tpu.memory_space<vmem_shared>>) target_semaphore(%arg13 : memref<!tpu.dma_semaphore, #tpu.memory_space<semaphore_mem>>)
      } else {
      }
      %scan3A_795 = arith.constant 0 : i32
      scf.yield %scan3A_795 : i32
    }
    %scan3A_75 = arith.constant 2 : i32
    %add3A_76 = arith.constant 224 : i32
    %add3A_77 = arith.addi %mul3A_2, %add3A_76 : i32
    %dma_wait3A = arith.constant 0 : i32
    %dma_wait3A_78 = arith.constant 0 : i32
    %dma_wait3A_79 = arith.constant 0 : i32
    %dma_wait3A_80 = tpu.memref_slice %arg4[%dma_wait3A, %dma_wait3A_78, %dma_wait3A_79] : memref<2x16x1024xf32, #tpu.memory_space<vmem>> -> memref<1x16x1024xf32, #tpu.memory_space<vmem>>
    %dma_wait3A_81 = tpu.memref_squeeze %dma_wait3A_80 : memref<1x16x1024xf32, #tpu.memory_space<vmem>> -> memref<16x1024xf32, #tpu.memory_space<vmem>>
    %dma_wait3A_82 = arith.constant 0 : i32
    %dma_wait3A_83 = tpu.memref_slice %arg3[%add3A_77, %dma_wait3A_82] : memref<16384x1024xf32, #tpu.memory_space<hbm>> -> memref<16x1024xf32, #tpu.memory_space<hbm>>
    %dma_wait3A_84 = arith.constant 0 : i32
    %dma_wait3A_85 = tpu.memref_slice %arg3[%add3A_77, %dma_wait3A_84] : memref<16384x1024xf32, #tpu.memory_space<hbm>> -> memref<16x1024xf32, #tpu.memory_space<hbm>>
    %dma_wait3A_86 = arith.constant 0 : i32
    %dma_wait3A_87 = arith.constant 0 : i32
    %dma_wait3A_88 = tpu.memref_slice %arg4[%dma_wait3A, %dma_wait3A_86, %dma_wait3A_87] : memref<2x16x1024xf32, #tpu.memory_space<vmem>> -> memref<1x16x1024xf32, #tpu.memory_space<vmem>>
    %dma_wait3A_89 = tpu.memref_squeeze %dma_wait3A_88 : memref<1x16x1024xf32, #tpu.memory_space<vmem>> -> memref<16x1024xf32, #tpu.memory_space<vmem>>
    tpu.wait_dma2 semaphore(%arg8 : memref<!tpu.dma_semaphore, #tpu.memory_space<semaphore_mem>>) src(%dma_wait3A_89 : memref<16x1024xf32, #tpu.memory_space<vmem>>) dst(%dma_wait3A_85 : memref<16x1024xf32, #tpu.memory_space<hbm>>)
    %add3A_90 = arith.constant 240 : i32
    %add3A_91 = arith.addi %mul3A_2, %add3A_90 : i32
    %dma_wait3A_92 = arith.constant 1 : i32
    %dma_wait3A_93 = arith.constant 0 : i32
    %dma_wait3A_94 = arith.constant 0 : i32
    %dma_wait3A_95 = tpu.memref_slice %arg4[%dma_wait3A_92, %dma_wait3A_93, %dma_wait3A_94] : memref<2x16x1024xf32, #tpu.memory_space<vmem>> -> memref<1x16x1024xf32, #tpu.memory_space<vmem>>
    %dma_wait3A_96 = tpu.memref_squeeze %dma_wait3A_95 : memref<1x16x1024xf32, #tpu.memory_space<vmem>> -> memref<16x1024xf32, #tpu.memory_space<vmem>>
    %dma_wait3A_97 = arith.constant 0 : i32
    %dma_wait3A_98 = tpu.memref_slice %arg3[%add3A_91, %dma_wait3A_97] : memref<16384x1024xf32, #tpu.memory_space<hbm>> -> memref<16x1024xf32, #tpu.memory_space<hbm>>
    %dma_wait3A_99 = arith.constant 0 : i32
    %dma_wait3A_100 = tpu.memref_slice %arg3[%add3A_91, %dma_wait3A_99] : memref<16384x1024xf32, #tpu.memory_space<hbm>> -> memref<16x1024xf32, #tpu.memory_space<hbm>>
    %dma_wait3A_101 = arith.constant 0 : i32
    %dma_wait3A_102 = arith.constant 0 : i32
    %dma_wait3A_103 = tpu.memref_slice %arg4[%dma_wait3A_92, %dma_wait3A_101, %dma_wait3A_102] : memref<2x16x1024xf32, #tpu.memory_space<vmem>> -> memref<1x16x1024xf32, #tpu.memory_space<vmem>>
    %dma_wait3A_104 = tpu.memref_squeeze %dma_wait3A_103 : memref<1x16x1024xf32, #tpu.memory_space<vmem>> -> memref<16x1024xf32, #tpu.memory_space<vmem>>
    tpu.wait_dma2 semaphore(%arg9 : memref<!tpu.dma_semaphore, #tpu.memory_space<semaphore_mem>>) src(%dma_wait3A_104 : memref<16x1024xf32, #tpu.memory_space<vmem>>) dst(%dma_wait3A_100 : memref<16x1024xf32, #tpu.memory_space<hbm>>)
    %add3A_105 = arith.constant 192 : i32
    %add3A_106 = arith.addi %add3A_4, %add3A_105 : i32
    %dma_wait3A_107 = arith.constant 0 : i32
    %dma_wait3A_108 = arith.constant 0 : i32
    %dma_wait3A_109 = tpu.memref_slice %arg3[%add3A_106, %dma_wait3A_108] : memref<16384x1024xf32, #tpu.memory_space<hbm>> -> memref<16x1024xf32, #tpu.memory_space<hbm>>
    %dma_wait3A_110 = arith.constant 0 : i32
    %dma_wait3A_111 = arith.constant 0 : i32
    %dma_wait3A_112 = tpu.memref_slice %arg5[%arg1, %dma_wait3A_107, %dma_wait3A_110, %dma_wait3A_111] : memref<16x4x16x1024xf32, #tpu.memory_space<vmem_shared>> -> memref<1x1x16x1024xf32, #tpu.memory_space<vmem_shared>>
    %dma_wait3A_113 = tpu.memref_squeeze %dma_wait3A_112 : memref<1x1x16x1024xf32, #tpu.memory_space<vmem_shared>> -> memref<16x1024xf32, #tpu.memory_space<vmem_shared>>
    tpu.wait_dma2 semaphore(%arg14 : memref<!tpu.dma_semaphore, #tpu.memory_space<semaphore_mem>>) src(%dma_wait3A_113 : memref<16x1024xf32, #tpu.memory_space<vmem_shared>>) dst(%dma_wait3A_109 : memref<16x1024xf32, #tpu.memory_space<hbm>>)
    %add3A_114 = arith.constant 208 : i32
    %add3A_115 = arith.addi %add3A_4, %add3A_114 : i32
    %dma_wait3A_116 = arith.constant 1 : i32
    %dma_wait3A_117 = arith.constant 0 : i32
    %dma_wait3A_118 = tpu.memref_slice %arg3[%add3A_115, %dma_wait3A_117] : memref<16384x1024xf32, #tpu.memory_space<hbm>> -> memref<16x1024xf32, #tpu.memory_space<hbm>>
    %dma_wait3A_119 = arith.constant 0 : i32
    %dma_wait3A_120 = arith.constant 0 : i32
    %dma_wait3A_121 = tpu.memref_slice %arg5[%arg1, %dma_wait3A_116, %dma_wait3A_119, %dma_wait3A_120] : memref<16x4x16x1024xf32, #tpu.memory_space<vmem_shared>> -> memref<1x1x16x1024xf32, #tpu.memory_space<vmem_shared>>
    %dma_wait3A_122 = tpu.memref_squeeze %dma_wait3A_121 : memref<1x1x16x1024xf32, #tpu.memory_space<vmem_shared>> -> memref<16x1024xf32, #tpu.memory_space<vmem_shared>>
    tpu.wait_dma2 semaphore(%arg15 : memref<!tpu.dma_semaphore, #tpu.memory_space<semaphore_mem>>) src(%dma_wait3A_122 : memref<16x1024xf32, #tpu.memory_space<vmem_shared>>) dst(%dma_wait3A_118 : memref<16x1024xf32, #tpu.memory_space<hbm>>)
    %add3A_123 = arith.constant 224 : i32
    %add3A_124 = arith.addi %add3A_4, %add3A_123 : i32
    %dma_wait3A_125 = arith.constant 2 : i32
    %dma_wait3A_126 = arith.constant 0 : i32
    %dma_wait3A_127 = tpu.memref_slice %arg3[%add3A_124, %dma_wait3A_126] : memref<16384x1024xf32, #tpu.memory_space<hbm>> -> memref<16x1024xf32, #tpu.memory_space<hbm>>
    %dma_wait3A_128 = arith.constant 0 : i32
    %dma_wait3A_129 = arith.constant 0 : i32
    %dma_wait3A_130 = tpu.memref_slice %arg5[%arg1, %dma_wait3A_125, %dma_wait3A_128, %dma_wait3A_129] : memref<16x4x16x1024xf32, #tpu.memory_space<vmem_shared>> -> memref<1x1x16x1024xf32, #tpu.memory_space<vmem_shared>>
    %dma_wait3A_131 = tpu.memref_squeeze %dma_wait3A_130 : memref<1x1x16x1024xf32, #tpu.memory_space<vmem_shared>> -> memref<16x1024xf32, #tpu.memory_space<vmem_shared>>
    tpu.wait_dma2 semaphore(%arg16 : memref<!tpu.dma_semaphore, #tpu.memory_space<semaphore_mem>>) src(%dma_wait3A_131 : memref<16x1024xf32, #tpu.memory_space<vmem_shared>>) dst(%dma_wait3A_127 : memref<16x1024xf32, #tpu.memory_space<hbm>>)
    %add3A_132 = arith.constant 240 : i32
    %add3A_133 = arith.addi %add3A_4, %add3A_132 : i32
    %dma_wait3A_134 = arith.constant 3 : i32
    %dma_wait3A_135 = arith.constant 0 : i32
    %dma_wait3A_136 = tpu.memref_slice %arg3[%add3A_133, %dma_wait3A_135] : memref<16384x1024xf32, #tpu.memory_space<hbm>> -> memref<16x1024xf32, #tpu.memory_space<hbm>>
    %dma_wait3A_137 = arith.constant 0 : i32
    %dma_wait3A_138 = arith.constant 0 : i32
    %dma_wait3A_139 = tpu.memref_slice %arg5[%arg1, %dma_wait3A_134, %dma_wait3A_137, %dma_wait3A_138] : memref<16x4x16x1024xf32, #tpu.memory_space<vmem_shared>> -> memref<1x1x16x1024xf32, #tpu.memory_space<vmem_shared>>
    %dma_wait3A_140 = tpu.memref_squeeze %dma_wait3A_139 : memref<1x1x16x1024xf32, #tpu.memory_space<vmem_shared>> -> memref<16x1024xf32, #tpu.memory_space<vmem_shared>>
    tpu.wait_dma2 semaphore(%arg17 : memref<!tpu.dma_semaphore, #tpu.memory_space<semaphore_mem>>) src(%dma_wait3A_140 : memref<16x1024xf32, #tpu.memory_space<vmem_shared>>) dst(%dma_wait3A_136 : memref<16x1024xf32, #tpu.memory_space<hbm>>)
    return
  }
}

</mosaic_0001>

<sc_bundles>
// kernel: kernel.3.cloned.1.call-start
scs
__scs_entry_jumppad:
0x0: {  	(pc) =	sbr.rel $0x88, $3  }
0x1: {  	(tag) =	ssettag $0x0;
	lr =	simm.s32 $0x1  }
0x2: {  	[smem:$0x3FA0] =	sst lr;
	_ =	strace $0xD0000000  }
0x3: {  	_ = 	snop  }
0x4: {  	_ = 	snop  }
0x5: {  	_ = 	snop  }
0x6: {  	_ = 	snop  }
0x7: {  	_ = 	snop  }
__scs_overlays_trampoline_lowered:
0x8: {  	[smem:$0x3FAF] =	sst s0  }
0x9: {  	[smem:$0x3FB0] =	sst s1  }
0xa: {  	[smem:$0x3FB1] =	sst s2  }
0xb: {  	[smem:$0x3FB2] =	sst s3  }
0xc: {  	[smem:$0x3FB3] =	sst s4  }
0xd: {  	[smem:$0x3FB4] =	sst s5  }
0xe: {  	[smem:$0x3FB5] =	sst s6  }
0xf: {  	[smem:$0x3FB6] =	sst s7  }
0x10: {  	[smem:$0x3FB7] =	sst s8  }
0x11: {  	[smem:$0x3FB8] =	sst s9;
	s0 =	simm.s32 @!p0 $0x0  }
0x12: {  	s1 =	sld [smem:$0x3F9E];
	s0 =	simm.s32 @p0 $0x1  }
0x13: {  	[smem:$0x3FB9] =	sst s0;
	s0 =	simm.s32 @!p1 $0x0  }
0x14: {  	s2 =	sld [smem:$0x3F9D];
	s0 =	simm.s32 @p1 $0x1  }
0x15: {  	[smem:$0x3FBA] =	sst s0;
	s0 =	simm.s32 @!p2 $0x0  }
0x16: {  	s3 =	sld [smem:$0x3FDB];
	s0 =	simm.s32 @p2 $0x1  }
0x17: {  	s4 =	simm.s32 $0x1BF5;
	[smem:$0x3FBC] =	sst s0  }
0x18: {  	s0 =	sld [smem:$0x3F9F];
	_ =	swait.ge [sflag:s4], $0x0  }
0x19: {  	s7 =	sld [smem:$0x3FA0]  }
0x1a: {  	s8 =	sadd.s32 $0xFFFFE003, lr  }
0x1b: {  	s9 =	sadd.s32 $0xFFFFFEF7, lr;
	s5 =	simm.s32 $0xFFFFFFFF;
	p2 =	slt.u32 s8, $0xFFFFF086  }
0x1c: {  	p1 =	slt.u32 s9, $0xF7A;
	s5 =	simm.s32 @!p2 $0x0  }
0x1d: {  	s5 =	simm.s32 @p1 $0x1;
	p0 =	seq.s32 s7, s2  }
0x1e: {  	s7 =	smul.u32 @!p0 $0xF7A, s2;
	p2 =	seq.s32 @!p0 s5, $0x0  }
0x1f: {  	s9 =	smul.u32 $0xF7A, s1;
	s8 =	simm.s32 @!p0 $0x1BF5;
	p2 =	por !p2, p0  }
0x20: {  	[sflag:s8] =	ssyncset.s32 @!p0 $0xFFFFF086;
	s6 =	sadd.s32 @!p0 s3, s7;
	s7 =	simm.s32 @!p0 $0x108  }
0x21: {  	s3 =	sadd.s32 s3, s9;
	s6 =	sadd.s32 @!p0 $0x88, s6;
	s7 =	simm.s32 @p2 $0x1082  }
0x22: {  	[simem:s7], [sflag:s8] =	dma.local @!p0 [hbm:s6], $0xF7A  }
0x23: {  	s9 =	sor.u32 $0xD0000000, s2;
	s6 =	simm.s32 $0x108;
	_ =	swait.ge @!p0 [sflag:s8], $0x0  }
0x24: {  	s3 =	sadd.s32 $0x88, s3;
	s6 =	simm.s32 @!p1 $0x1082;
	[sflag:s4] =	ssyncset.s32 $0xFFFFF086  }
0x25: {  	[simem:s6], [sflag:s4] =	dma.local [hbm:s3], $0xF7A  }
0x26: {  	[smem:$0x3FA0] =	sst s1;
	(tag) =	ssettag s2;
	_ =	strace s9  }
0x27: {  	s1 =	sld [smem:$0x3FB0]  }
0x28: {  	s2 =	sld [smem:$0x3FB1]  }
0x29: {  	s4 =	sld [smem:$0x3FB3]  }
0x2a: {  	p0 =	seq.s32 s5, $0x0;
	s5 =	sld [smem:$0x3FB4]  }
0x2b: {  	s6 =	sld [smem:$0x3FB5]  }
0x2c: {  	s7 =	sld [smem:$0x3FB6]  }
0x2d: {  	s3 =	simm.s32 $0x108;
	s8 =	sld [smem:$0x3FB7]  }
0x2e: {  	s3 =	simm.s32 @!p0 $0x1082;
	s9 =	sld [smem:$0x3FB8]  }
0x2f: {  	lr =	sadd.s32 s0, s3;
	s0 =	sld [smem:$0x3FAF]  }
0x30: {  	s3 =	sld [smem:$0x3FB2]  }
0x31: {  	[smem:$0x3FBB] =	sst s10  }
0x32: {  	s10 =	sld [smem:$0x3FB9];
	_ =	sdelay $0x3  }
0x33: {  	p0 =	seq.s32 s10, $0x1;
	s10 =	sld [smem:$0x3FBB];
	_ =	sdelay $0x3  }
0x34: {  	[smem:$0x3FBB] =	sst s10  }
0x35: {  	s10 =	sld [smem:$0x3FBA];
	_ =	sdelay $0x3  }
0x36: {  	p1 =	seq.s32 s10, $0x1;
	s10 =	sld [smem:$0x3FBB];
	_ =	sdelay $0x3  }
0x37: {  	[smem:$0x3FBB] =	sst s10  }
0x38: {  	s10 =	sld [smem:$0x3FBC]  }
0x39: {  	_ = 	snop;
	(pc) =	sbr.ind lr, $3  }
0x3a: {  	_ = 	snop  }
0x3b: {  	_ = 	snop  }
0x3c: {  	p2 =	seq.s32 s10, $0x1;
	s10 =	sld [smem:$0x3FBB]  }
0x3d: {  	_ =	shalt  }
0x3e: {  	_ =	shalt  }
0x3f: {  	_ =	shalt  }
0x40: {  	_ =	shalt  }
0x41: {  	_ =	shalt  }
0x42: {  	_ =	shalt  }
0x43: {  	_ =	shalt  }
0x44: {  	_ =	shalt  }
0x45: {  	_ =	shalt  }
0x46: {  	_ =	shalt  }
0x47: {  	_ =	shalt  }
0x48: {  	_ =	shalt  }
0x49: {  	_ =	shalt  }
0x4a: {  	_ =	shalt  }
0x4b: {  	_ =	shalt  }
0x4c: {  	_ =	shalt  }
0x4d: {  	_ =	shalt  }
0x4e: {  	_ =	shalt  }
0x4f: {  	_ =	shalt  }
0x50: {  	_ =	shalt  }
0x51: {  	_ =	shalt  }
0x52: {  	_ =	shalt  }
0x53: {  	_ =	shalt  }
0x54: {  	_ =	shalt  }
0x55: {  	_ =	shalt  }
0x56: {  	_ =	shalt  }
0x57: {  	_ =	shalt  }
0x58: {  	_ =	shalt  }
0x59: {  	_ =	shalt  }
0x5a: {  	_ =	shalt  }
0x5b: {  	_ =	shalt  }
0x5c: {  	_ =	shalt  }
0x5d: {  	_ =	shalt  }
0x5e: {  	_ =	shalt  }
0x5f: {  	_ =	shalt  }
0x60: {  	_ =	shalt  }
0x61: {  	_ =	shalt  }
0x62: {  	_ =	shalt  }
0x63: {  	_ =	shalt  }
0x64: {  	_ =	shalt  }
0x65: {  	_ =	shalt  }
0x66: {  	_ =	shalt  }
0x67: {  	_ =	shalt  }
0x68: {  	_ =	shalt  }
0x69: {  	_ =	shalt  }
0x6a: {  	_ =	shalt  }
0x6b: {  	_ =	shalt  }
0x6c: {  	_ =	shalt  }
0x6d: {  	_ =	shalt  }
0x6e: {  	_ =	shalt  }
0x6f: {  	_ =	shalt  }
0x70: {  	_ =	shalt  }
0x71: {  	_ =	shalt  }
0x72: {  	_ =	shalt  }
0x73: {  	_ =	shalt  }
0x74: {  	_ =	shalt  }
0x75: {  	_ =	shalt  }
0x76: {  	_ =	shalt  }
0x77: {  	_ =	shalt  }
0x78: {  	_ =	shalt  }
0x79: {  	_ =	shalt  }
0x7a: {  	_ =	shalt  }
0x7b: {  	_ =	shalt  }
0x7c: {  	_ =	shalt  }
0x7d: {  	_ =	shalt  }
0x7e: {  	_ =	shalt  }
0x7f: {  	_ =	shalt  }
0x80: {  	_ =	shalt  }
0x81: {  	_ =	shalt  }
0x82: {  	_ =	shalt  }
0x83: {  	_ =	shalt  }
0x84: {  	_ =	shalt  }
0x85: {  	_ =	shalt  }
0x86: {  	_ =	shalt  }
0x87: {  	_ =	shalt  }
.Lfunc_end0:
.L_simem_size_0:
called_computation_lowered:
.L_overlay_start_0:
0x88: {  	s2 =	sld [smem:$0x3FD9]  }
0x89: {  	s3 =	sld [smem:$0x3FFE];
	_ =	sdelay $0x1  }
0x8a: {  	s1 =	srdreg.scid  }
0x8b: {  	s0 =	sand.u32 $0x1, s1  }
0x8c: {  	s18 =	sshll.u32 s0, $0xA;
	s2 =	sadd.s32 s3, s2  }
0x8d: {  	s2 =	sadd.s32 s2, s18  }
0x8e: {  	[smem:$0x3FC7] =	sst s2  }
0x8f: {  	_ = 	snop  }
0x90: {  	s2 =	sld [smem:$0x3FC9]  }
0x91: {  	s19 =	sld [smem:$0x3FD0];
	(tm) =	ssettm $0x1  }
0x92: {  	s4 =	sld [smem:$0x3FFB];
	_ =	sdelay $0x3  }
0x93: {  	_ =	strace s4  }
0x94: {  	s4 =	sld [smem:$0x3FFC];
	_ =	sdelay $0x3  }
0x95: {  	_ =	strace s4  }
0x96: {  	s4 =	sld [smem:$0x3FFD];
	_ =	sdelay $0x3  }
0x97: {  	_ =	strace s4  }
0x98: {  	_ =	strace $0x8FFFFFFF  }
0x99: {  	s20 =	sld [smem:$0x3FDB];
	_ =	sdelay $0x1  }
0x9a: {  	s5 =	simm.s32 $_scs_section_size  }
0x9b: {  	s6 =	simm.s32 $_size__tile_overlayer_lowered;
	s7 =	simm.s32 $_tile_overlayer_lowered  }
0x9c: {  	s23 =	simm.s32 $0x1BFF;
	s22 =	sshll.u32 s7, $0x1;
	s4 =	sadd.s32 s5, s20  }
0x9d: {  	s8 =	simm.s32 $0x0;
	s21 =	sshll.u32 s6, $0x1;
	s6 =	sadd.s32 s22, s4  }
0x9e: {  	[timem:s8], [sflag:s23] =	dma.local [hbm:s6], s21  }
0x9f: {  	_ =	swait.ge [sflag:s23], s21  }
0xa0: {  	s5 =	ssub.s32 $0x0, s21;
	[sflag:s23] =	ssyncset.done $0x0  }
0xa1: {  	[sflag:s23] =	ssyncadd.s32 s5;
	_ =	sdelay $0x1  }
0xa2: {  	s24 =	simm.s32 $0x1B8B  }
0xa3: {  	_ =	swait.ge [sflag:s24], $0x1  }
0xa4: {  	[sflag:s24] =	ssyncset.done $0x0  }
0xa5: {  	s25 =	simm.s32 $0x1B8E;
	[sflag:s24] =	ssyncadd.s32 $0xFFFFFFFF  }
0xa6: {  	s26 =	simm.s32 $execute0_lowered;
	[smem:$0x3FD2] =	sst s25  }
0xa7: {  	s5 =	sshll.u32 s26, $0x1;
	_ =	strace $0x80000046;
	[dreg:$0x1] =	wrdreg $0xFFFFFFFF  }
0xa8: {  	s28 =	simm.s32 $_size_execute0_lowered;
	s4 =	sadd.s32 s4, s5;
	[dreg:$0x0] =	wrdreg $0x0  }
0xa9: {  	s5 =	sshll.u32 s28, $0x1;
	[dreg:$0x2] =	wrdreg s4  }
0xaa: {  	[dreg:$0x3] =	wrdreg s5  }
0xab: {  	[dreg:$0x4] =	wrdreg $0xC0  }
0xac: {  	_ =	task [dreg:s8], $0x5FFFF  }
0xad: {  	[dreg:$0x1] =	wrdreg $0xFFFFFFFF  }
0xae: {  	[dreg:$0x0] =	wrdreg $0x60  }
0xaf: {  	[dreg:$0x2] =	wrdreg s2  }
0xb0: {  	[dreg:$0x3] =	wrdreg s19  }
0xb1: {  	[dreg:$0x4] =	wrdreg $0x80000  }
0xb2: {  	[dreg:$0x5] =	wrdreg $0x9  }
0xb3: {  	_ =	task.clear_ibuf [dreg:s8], $0x6FFFF;
	_ =	strace $0x90000046  }
0xb4: {  	s29 =	simm.s32 $0x9;
	_ =	strace $0x80000048  }
0xb5: {  	_ =	swait.ge [sflag:s29], $0x1  }
0xb6: {  	[sflag:s29] =	ssyncadd.s32 $0xFFFFFFFF  }
0xb7: {  	_ =	strace $0x90000048  }
0xb8: {  	_ =	sfence  }
0xb9: {  	s30 =	sld [smem:$0x0];
	_ =	sdelay $0x2  }
0xba: {  	s31 =	sshll.u32 s1, $0xD;
	s1 =	sshrl.u32 s1, $0x2  }
0xbb: {  	s3 =	sand.u32 $0x4000, s31;
	s1 =	sadd.s32 s1, s30  }
0xbc: {  	s0 =	sor.u32 s3, s0;
	s1 =	sshll.u32 s1, $0x11  }
0xbd: {  	s0 =	sor.u32 s1, s0  }
0xbe: {  	s0 =	sadd.s32 $0x8F2B, s0  }
0xbf: {  	[sflag:s0] =	ssyncadd.remote.s32 $0x1  }
0xc0: {  	_ =	sfence.sel $0xFFFF  }
0xc1: {  	[dreg:$0x0] =	wrdreg $0xFFFFFFFF;
	(pc) =	sbr.abs _section_cstart, $3  }
0xc2: {  	[dreg:$0x1] =	wrdreg $0xFFFFFFFF  }
0xc3: {  	_ =	task.clear_ibuf [dreg:s8], $0x2FFFF;
	_ =	strace $0x9FFFFFFF  }
0xc4: {  	(tm) =	ssettm $0x7FFFFFFF  }
0xc5: {  	_ =	shalt  }
tec
execute0_lowered:
.L_overlay_start_1:
0x0: {  	(tag) =	ssettag $0x1  }
0x1: {  	s0 =	rddreg [dreg:$0x0]  }
0x2: {  	s1 =	rddreg [dreg:$0x2]  }
0x3: {  	s3 =	srdreg.scid;
	s10 =	stileid.u32;
	s2 =	simm.s32 $0x0  }
0x4: {  	s4 =	sand.u32 $0x1, s3;
	s5 =	sshll.u32 s10, $0xA;
	[smem:$0x7FF] =	sst s2  }
0x5: {  	s17 =	sshll.u32 s10, $0x10;
	s10 =	sshll.u32 s10, $0x6;
	s24 =	sadd.s32 $0x4000, s0  }
0x6: {  	_ =	strace $0x80000047;
	[dreg:$0x18] =	wrdreg s10;
	s12 =	sor.u32 $0x1C05, s10  }
0x7: {  	s6 =	sshll.u32 s4, $0x9;
	s1 =	sadd.s32 s17, s1;
	[dreg:$0x6] =	wrdreg s12  }
0x8: {  	s7 =	ssub.s32 $0x2, s4;
	s19 =	sadd.s32 $0x4000, s1;
	[dreg:$0x5] =	wrdreg s1  }
0x9: {  	s31 =	sor.u32 s6, s5;
	s21 =	sadd.s32 $0x8000, s1;
	[dreg:$0x7] =	wrdreg s19  }
0xa: {  	s1 =	sadd.s32 $0xC000, s1;
	s8 =	sshll.u32 s31, $0x7;
	[dreg:$0x9] =	wrdreg s21  }
0xb: {  	s15 =	sshrl.u32 s7, $0x1;
	[dreg:$0xb] =	wrdreg s1;
	s16 =	sadd.s32 s0, s8  }
0xc: {  	s7 =	ssub.s32 s7, s15;
	s1 =	sadd.s32 s8, s24;
	[dreg:$0x19] =	wrdreg s16  }
0xd: {  	s30 =	smax.u32 s7, $0x1;
	[dreg:$0xf] =	wrdreg s1  }
0xe: {  	s9 =	sadd.s32 $0x800, s16;
	[dreg:$0x13] =	wrdreg s30  }
0xf: {  	s29 =	simm.s32 $0x1;
	s20 =	sadd.s32 $0x8800, s16;
	[dreg:$0x4] =	wrdreg s9  }
0x10: {  	s5 =	sor.u32 $0x100, s31;
	s22 =	sadd.s32 $0x9000, s16;
	[dreg:$0x8] =	wrdreg s20  }
0x11: {  	s11 =	sshll.u32 s5, $0x7;
	s23 =	sadd.s32 $0x9800, s16;
	[dreg:$0xa] =	wrdreg s22  }
0x12: {  	s3 =	simm.s32 $0x2;
	s25 =	sadd.s32 s11, s24;
	[dreg:$0xc] =	wrdreg s23  }
0x13: {  	s18 =	sadd.s32 s0, s11;
	s0 =	sadd.s32 $0x4800, s0;
	[dreg:$0xd] =	wrdreg s25  }
.Ltmp0:
0x14: {  	s11 =	sadd.s32 s11, s0;
	[dreg:$0x17] =	wrdreg s18;
	(pc) =	sbr.rel .LBB2_1-.Ltmp0, $4  }
0x15: {  	s7 =	simm.s32 $0x3;
	s26 =	sadd.s32 $0x5000, s18;
	[dreg:$0xe] =	wrdreg s11  }
0x16: {  	s16 =	simm.s32 $0x4000;
	s0 =	sadd.s32 s8, s0;
	[dreg:$0x10] =	wrdreg s26  }
0x17: {  	s28 =	sadd.s32 $0x5800, s18;
	s22 =	simm.s32 $0x7;
	[dreg:$0x11] =	wrdreg s0  }
0x18: {  	s23 =	simm.s32 $0x8;
	[dreg:$0x12] =	wrdreg s28;
	s11 =	simm.s32 $0x0  }
.LBB2_4:
0x19: {  	s0 =	simm.s32 $0x3  }
0x1a: {  	_ =	swait.ge [sflag:s0], $0x4000  }
0x1b: {  	[sflag:s0] =	ssyncset.done $0x0  }
0x1c: {  	s25 =	simm.s32 $0x4;
	[sflag:s0] =	ssyncadd.s32 $0xFFFFC000  }
0x1d: {  	_ =	swait.ge [sflag:s25], $0x4000  }
0x1e: {  	[sflag:s25] =	ssyncset.done $0x0  }
0x1f: {  	s1 =	simm.s32 $0x9;
	[sflag:s25] =	ssyncadd.s32 $0xFFFFC000  }
0x20: {  	_ =	swait.ge [sflag:s1], $0x800  }
0x21: {  	[sflag:s1] =	ssyncset.done $0x0  }
0x22: {  	s26 =	simm.s32 $0xA;
	[sflag:s1] =	ssyncadd.s32 $0xFFFFF800  }
0x23: {  	_ =	swait.ge [sflag:s26], $0x800  }
0x24: {  	[sflag:s26] =	ssyncset.done $0x0  }
0x25: {  	s28 =	simm.s32 $0xB;
	[sflag:s26] =	ssyncadd.s32 $0xFFFFF800  }
0x26: {  	_ =	swait.ge [sflag:s28], $0x800  }
0x27: {  	[sflag:s28] =	ssyncset.done $0x0  }
0x28: {  	s30 =	simm.s32 $0xC;
	[sflag:s28] =	ssyncadd.s32 $0xFFFFF800  }
0x29: {  	_ =	swait.ge [sflag:s30], $0x800  }
0x2a: {  	s11 =	rddreg [dreg:$0x14]  }
0x2b: {  	s8 =	rddreg [dreg:$0x13];
	s11 =	sadd.s32 $0x1, s11  }
0x2c: {  	p0 =	sne.s32 s11, s8  }
.Ltmp1:
0x2d: {  	_ = 	snop;
	(pc) =	sbr.rel @!p0 .LBB2_5-.Ltmp1, $3  }
0x2e: {  	_ =	sdelay $0x1  }
0x2f: {  	[sflag:s30] =	ssyncset.done $0x0  }
0x30: {  	[sflag:s30] =	ssyncadd.s32 $0xFFFFF800  }
.LBB2_1:
0x31: {  	[dreg:$0x14] =	wrdreg s11  }
0x32: {  	s0 =	rddreg [dreg:$0x19]  }
0x33: {  	s8 =	rddreg [dreg:$0x4]  }
0x34: {  	s18 =	rddreg [dreg:$0x5]  }
0x35: {  	s19 =	rddreg [dreg:$0x6]  }
0x36: {  	[tilespmem:s2], [sflag:$0x1] =	stream.linear.gather [hbm4b:s0+s2], $0x4000, $0x38;
	[tilespmem:$0x18000] =	vst v63  }
0x37: {  	s9 =	rddreg [dreg:$0x17];
	s1 =	sshrl.u32 s18, $0x3  }
0x38: {  	[dreg:$0x15] =	wrdreg s1  }
0x39: {  	[tilespmem:s16], [sflag:$0x2] =	stream.linear.gather [hbm4b:s8+s2], $0x4000, $0x38;
	[tilespmem:$0x18000] =	vst v63  }
0x3a: {  	[spmem:s1], [sflag:s19] =	dma.local [hbm:s9], $0x800  }
0x3b: {  	s9 =	rddreg [dreg:$0x18]  }
0x3c: {  	s8 =	rddreg [dreg:$0x7]  }
0x3d: {  	s24 =	rddreg [dreg:$0x8];
	s20 =	sor.u32 $0x1C06, s9  }
0x3e: {  	s21 =	sshrl.u32 s8, $0x3;
	[dreg:$0x16] =	wrdreg s20  }
0x3f: {  	s25 =	sor.u32 $0x1C07, s9;
	[dreg:$0x1a] =	wrdreg s21  }
0x40: {  	[spmem:s21], [sflag:s20] =	dma.local [hbm:s24], $0x800  }
0x41: {  	[dreg:$0x1b] =	wrdreg s25  }
0x42: {  	s8 =	rddreg [dreg:$0x9]  }
0x43: {  	s28 =	rddreg [dreg:$0xa];
	s26 =	sshrl.u32 s8, $0x3  }
0x44: {  	s30 =	sor.u32 $0x1C08, s9;
	[dreg:$0x1c] =	wrdreg s26  }
0x45: {  	[spmem:s26], [sflag:s25] =	dma.local [hbm:s28], $0x800  }
0x46: {  	[dreg:$0x1d] =	wrdreg s30  }
0x47: {  	p0 =	por $0x1, $0x1;
	s11 =	simm.s32 $0x0;
	s13 =	rddreg [dreg:$0xc]  }
.LBB2_2:
0x48: {  	s8 =	rddreg [dreg:$0xb]  }
0x49: {  	s0 =	rddreg [dreg:$0x1d];
	s1 =	sshrl.u32 s8, $0x3  }
0x4a: {  	[dreg:$0x1f] =	wrdreg s1  }
0x4b: {  	[spmem:s1], [sflag:s0] =	dma.local [hbm:s13], $0x800  }
0x4c: {  	_ =	swait.ge [sflag:s29], $0x4000  }
0x4d: {  	[sflag:s29] =	ssyncset.done $0x0  }
0x4e: {  	s9 =	simm.s32 $0x5;
	[sflag:s29] =	ssyncadd.s32 $0xFFFFC000  }
0x4f: {  	_ =	swait.ge [sflag:s9], $0x800  }
0x50: {  	[sflag:s9] =	ssyncset.done $0x0  }
0x51: {  	s13 =	simm.s32 @!p0 $0x3;
	[sflag:s9] =	ssyncadd.s32 $0xFFFFF800  }
0x52: {  	_ =	swait.ge @!p0 [sflag:s13], $0x4000  }
0x53: {  	s14 =	sshll.u32 s11, $0x7;
	[sflag:s13] =	ssyncset.done @!p0 $0x0  }
0x54: {  	s15 =	sor.u32 s31, s14;
	[sflag:s13] =	ssyncadd.s32 @!p0 $0xFFFFC000;
	s13 =	simm.s32 @!p0 $0x9  }
0x55: {  	s17 =	sor.u32 s5, s14;
	s15 =	sshll.u32 s15, $0x7;
	_ =	swait.ge @!p0 [sflag:s13], $0x800  }
0x56: {  	s12 =	sshll.u32 s17, $0x7;
	[sflag:s13] =	ssyncset.done @!p0 $0x0;
	s25 =	rddreg [dreg:$0x18]  }
0x57: {  	s17 =	sshll.u32 s11, $0x3;
	s18 =	rddreg [dreg:$0x15];
	[sflag:s13] =	ssyncadd.s32 @!p0 $0xFFFFF800  }
0x58: {  	s20 =	sor.u32 $0x2, s17;
	s19 =	sor.u32 $0x1C09, s25;
	s4 =	rddreg [dreg:$0x1]  }
0x59: {  	[dreg:$0x1e] =	wrdreg s19;
	s10 =	sadd.s32 s4, s15;
	s15 =	sadd.s32 s4, s12  }
0x5a: {  	[hbm4b:s10+s2] =	stream.linear.scatter [tilespmem:s2], [sflag:$0x3], $0x4000, $0x38;
	[tilespmem:$0x18000] =	vst v63  }
0x5b: {  	[hbm:s15], [sflag:s19] =	dma.local [spmem:s18], $0x800  }
0x5c: {  	s21 =	sshll.u32 s20, $0xB;
	s0 =	rddreg [dreg:$0x19]  }
0x5d: {  	s15 =	sor.u32 $0x4, s17;
	s13 =	sadd.s32 s21, s0  }
0x5e: {  	[tilespmem:s2], [sflag:$0x1] =	stream.linear.gather [hbm4b:s13+s2], $0x4000, $0x38;
	[tilespmem:$0x18000] =	vst v63  }
0x5f: {  	s10 =	rddreg [dreg:$0x17];
	s13 =	sshll.u32 s15, $0xB  }
0x60: {  	s24 =	rddreg [dreg:$0x6];
	s21 =	sadd.s32 s13, s10  }
0x61: {  	[spmem:s18], [sflag:s24] =	dma.local [hbm:s21], $0x800  }
0x62: {  	_ =	swait.ge [sflag:s3], $0x4000  }
0x63: {  	[sflag:s3] =	ssyncset.done $0x0  }
0x64: {  	s1 =	simm.s32 $0x6;
	[sflag:s3] =	ssyncadd.s32 $0xFFFFC000  }
0x65: {  	_ =	swait.ge [sflag:s1], $0x800  }
0x66: {  	[sflag:s1] =	ssyncset.done $0x0  }
0x67: {  	s21 =	simm.s32 @!p0 $0x4;
	[sflag:s1] =	ssyncadd.s32 $0xFFFFF800  }
0x68: {  	_ =	swait.ge @!p0 [sflag:s21], $0x4000  }
0x69: {  	s14 =	sor.u32 $0x10, s14;
	s2 =	simm.s32 $0x0;
	[sflag:s21] =	ssyncset.done @!p0 $0x0  }
0x6a: {  	s24 =	sor.u32 s31, s14;
	[sflag:s21] =	ssyncadd.s32 @!p0 $0xFFFFC000;
	s21 =	simm.s32 @!p0 $0xA  }
0x6b: {  	s14 =	sor.u32 s5, s14;
	s24 =	sshll.u32 s24, $0x7;
	_ =	swait.ge @!p0 [sflag:s21], $0x800  }
0x6c: {  	s14 =	sshll.u32 s14, $0x7;
	s26 =	sadd.s32 s4, s24;
	[sflag:s21] =	ssyncset.done @!p0 $0x0  }
0x6d: {  	s14 =	sadd.s32 s4, s14;
	s24 =	sor.u32 $0x5, s17;
	[sflag:s21] =	ssyncadd.s32 @!p0 $0xFFFFF800  }
0x6e: {  	[hbm4b:s26+s2] =	stream.linear.scatter [tilespmem:s16], [sflag:$0x4], $0x4000, $0x38;
	[tilespmem:$0x18000] =	vst v63  }
0x6f: {  	s21 =	sor.u32 $0x1C0A, s25;
	s26 =	rddreg [dreg:$0x1a];
	s16 =	sor.u32 $0x3, s17  }
0x70: {  	[hbm:s14], [sflag:s21] =	dma.local [spmem:s26], $0x800  }
0x71: {  	s6 =	simm.s32 $0x4000;
	s19 =	sshll.u32 s24, $0xB;
	s28 =	sshll.u32 s16, $0xB  }
0x72: {  	s30 =	sadd.s32 s19, s10;
	s14 =	sadd.s32 s28, s0;
	s12 =	rddreg [dreg:$0x16]  }
0x73: {  	[tilespmem:s6], [sflag:$0x2] =	stream.linear.gather [hbm4b:s14+s2], $0x4000, $0x38;
	[tilespmem:$0x18000] =	vst v63  }
0x74: {  	[spmem:s26], [sflag:s12] =	dma.local [hbm:s30], $0x800  }
0x75: {  	_ =	swait.ge [sflag:s29], $0x4000  }
0x76: {  	[sflag:s29] =	ssyncset.done $0x0  }
0x77: {  	[sflag:s29] =	ssyncadd.s32 $0xFFFFC000  }
0x78: {  	_ =	swait.ge [sflag:s22], $0x800  }
0x79: {  	[sflag:s22] =	ssyncset.done $0x0  }
0x7a: {  	[sflag:s22] =	ssyncadd.s32 $0xFFFFF800  }
0x7b: {  	_ =	swait.ge [sflag:s7], $0x4000  }
0x7c: {  	[sflag:s7] =	ssyncset.done $0x0  }
0x7d: {  	s11 =	sshll.u32 s20, $0x4;
	s14 =	simm.s32 @!p0 $0xB;
	[sflag:s7] =	ssyncadd.s32 $0xFFFFC000  }
0x7e: {  	s6 =	sor.u32 s31, s11;
	s11 =	sor.u32 s5, s11;
	_ =	swait.ge @!p0 [sflag:s14], $0x800  }
0x7f: {  	s8 =	sshll.u32 s6, $0x7;
	s20 =	sshll.u32 s11, $0x7;
	[sflag:s14] =	ssyncset.done @!p0 $0x0  }
0x80: {  	s11 =	sor.u32 $0x6, s17;
	s8 =	sadd.s32 s4, s8;
	[sflag:s14] =	ssyncadd.s32 @!p0 $0xFFFFF800  }
0x81: {  	[hbm4b:s8+s2] =	stream.linear.scatter [tilespmem:s2], [sflag:$0x3], $0x4000, $0x38;
	[tilespmem:$0x18000] =	vst v63  }
0x82: {  	s30 =	rddreg [dreg:$0x1c];
	s14 =	sor.u32 $0x1C0B, s25;
	s8 =	sadd.s32 s4, s20  }
0x83: {  	[hbm:s8], [sflag:s14] =	dma.local [spmem:s30], $0x800  }
0x84: {  	s28 =	sadd.s32 s13, s0;
	s8 =	sshll.u32 s11, $0xB  }
0x85: {  	[tilespmem:s2], [sflag:$0x1] =	stream.linear.gather [hbm4b:s28+s2], $0x4000, $0x38;
	[tilespmem:$0x18000] =	vst v63  }
0x86: {  	s6 =	sadd.s32 s8, s10;
	s20 =	rddreg [dreg:$0x1b]  }
0x87: {  	[spmem:s30], [sflag:s20] =	dma.local [hbm:s6], $0x800  }
0x88: {  	_ =	swait.ge [sflag:s3], $0x4000  }
0x89: {  	[sflag:s3] =	ssyncset.done $0x0  }
0x8a: {  	[sflag:s3] =	ssyncadd.s32 $0xFFFFC000  }
0x8b: {  	_ =	swait.ge [sflag:s23], $0x800  }
0x8c: {  	[sflag:s23] =	ssyncset.done $0x0  }
0x8d: {  	s6 =	simm.s32 $0x4;
	[sflag:s23] =	ssyncadd.s32 $0xFFFFF800  }
0x8e: {  	_ =	swait.ge [sflag:s6], $0x4000  }
0x8f: {  	s13 =	sshll.u32 s16, $0x4;
	[sflag:s6] =	ssyncset.done $0x0  }
0x90: {  	s16 =	simm.s32 @!p0 $0xC;
	s17 =	sor.u32 $0x7, s17;
	[sflag:s6] =	ssyncadd.s32 $0xFFFFC000  }
0x91: {  	s28 =	sor.u32 s31, s13;
	s13 =	sor.u32 s5, s13;
	_ =	swait.ge @!p0 [sflag:s16], $0x800  }
0x92: {  	s28 =	sshll.u32 s28, $0x7;
	s13 =	sshll.u32 s13, $0x7;
	[sflag:s16] =	ssyncset.done @!p0 $0x0  }
0x93: {  	[sflag:s16] =	ssyncadd.s32 @!p0 $0xFFFFF800;
	s16 =	sadd.s32 s4, s28;
	s28 =	simm.s32 $0x4000  }
0x94: {  	[hbm4b:s16+s2] =	stream.linear.scatter [tilespmem:s28], [sflag:$0x4], $0x4000, $0x38;
	[tilespmem:$0x18000] =	vst v63  }
0x95: {  	s28 =	sadd.s32 s4, s13;
	s13 =	sor.u32 $0x1C0C, s25;
	s25 =	rddreg [dreg:$0x1f]  }
0x96: {  	[hbm:s28], [sflag:s13] =	dma.local [spmem:s25], $0x800  }
0x97: {  	s19 =	sadd.s32 s19, s0;
	s16 =	sshll.u32 s17, $0xB;
	s28 =	simm.s32 $0x4000  }
0x98: {  	[tilespmem:s28], [sflag:$0x2] =	stream.linear.gather [hbm4b:s19+s2], $0x4000, $0x38;
	[tilespmem:$0x18000] =	vst v63  }
0x99: {  	s10 =	sadd.s32 s16, s10;
	s28 =	rddreg [dreg:$0x1d]  }
0x9a: {  	[spmem:s25], [sflag:s28] =	dma.local [hbm:s10], $0x800  }
0x9b: {  	_ =	swait.ge [sflag:s29], $0x4000  }
0x9c: {  	[sflag:s29] =	ssyncset.done $0x0  }
0x9d: {  	[sflag:s29] =	ssyncadd.s32 $0xFFFFC000  }
0x9e: {  	_ =	swait.ge [sflag:s9], $0x800  }
0x9f: {  	[sflag:s9] =	ssyncset.done $0x0  }
0xa0: {  	[sflag:s9] =	ssyncadd.s32 $0xFFFFF800  }
0xa1: {  	_ =	swait.ge [sflag:s7], $0x4000  }
0xa2: {  	[sflag:s7] =	ssyncset.done $0x0  }
0xa3: {  	s15 =	sshll.u32 s15, $0x4;
	s10 =	simm.s32 $0x9;
	[sflag:s7] =	ssyncadd.s32 $0xFFFFC000  }
0xa4: {  	s9 =	sor.u32 s31, s15;
	_ =	swait.ge [sflag:s10], $0x800  }
0xa5: {  	s15 =	sor.u32 s5, s15;
	s19 =	sshll.u32 s9, $0x7;
	[sflag:s10] =	ssyncset.done $0x0  }
0xa6: {  	s15 =	sshll.u32 s15, $0x7;
	s19 =	sadd.s32 s4, s19;
	[sflag:s10] =	ssyncadd.s32 $0xFFFFF800  }
0xa7: {  	[hbm4b:s19+s2] =	stream.linear.scatter [tilespmem:s2], [sflag:$0x3], $0x4000, $0x38;
	[tilespmem:$0x18000] =	vst v63  }
0xa8: {  	s8 =	sadd.s32 s8, s0;
	s15 =	sadd.s32 s4, s15;
	s19 =	rddreg [dreg:$0x1e]  }
0xa9: {  	[hbm:s15], [sflag:s19] =	dma.local [spmem:s18], $0x800  }
0xaa: {  	[tilespmem:s2], [sflag:$0x1] =	stream.linear.gather [hbm4b:s8+s2], $0x4000, $0x38;
	[tilespmem:$0x18000] =	vst v63  }
0xab: {  	s8 =	rddreg [dreg:$0x5]  }
0xac: {  	s15 =	rddreg [dreg:$0xd]  }
0xad: {  	s9 =	rddreg [dreg:$0x6];
	s8 =	sshrl.u32 @p0 s8, $0x3  }
0xae: {  	[spmem:s8], [sflag:s9] =	dma.local @p0 [hbm:s15], $0x800  }
0xaf: {  	_ =	swait.ge [sflag:s3], $0x4000  }
0xb0: {  	[sflag:s3] =	ssyncset.done $0x0  }
0xb1: {  	[sflag:s3] =	ssyncadd.s32 $0xFFFFC000  }
0xb2: {  	_ =	swait.ge [sflag:s1], $0x800  }
0xb3: {  	[sflag:s1] =	ssyncset.done $0x0  }
0xb4: {  	[sflag:s1] =	ssyncadd.s32 $0xFFFFF800  }
0xb5: {  	s28 =	sshll.u32 s24, $0x4;
	_ =	swait.ge [sflag:s6], $0x4000  }
0xb6: {  	s10 =	simm.s32 $0xA;
	s18 =	simm.s32 $0x4000;
	[sflag:s6] =	ssyncset.done $0x0  }
0xb7: {  	s19 =	sadd.s32 s16, s0;
	s16 =	simm.s32 $0x4000;
	[sflag:s6] =	ssyncadd.s32 $0xFFFFC000  }
0xb8: {  	s9 =	sor.u32 s31, s28;
	s8 =	sor.u32 s5, s28;
	_ =	swait.ge [sflag:s10], $0x800  }
0xb9: {  	s15 =	sshll.u32 s9, $0x7;
	s8 =	sshll.u32 s8, $0x7;
	[sflag:s10] =	ssyncset.done $0x0  }
0xba: {  	s15 =	sadd.s32 s4, s15;
	s8 =	sadd.s32 s4, s8;
	[sflag:s10] =	ssyncadd.s32 $0xFFFFF800  }
0xbb: {  	[hbm4b:s15+s2] =	stream.linear.scatter [tilespmem:s18], [sflag:$0x4], $0x4000, $0x38;
	[tilespmem:$0x18000] =	vst v63  }
0xbc: {  	[hbm:s8], [sflag:s21] =	dma.local [spmem:s26], $0x800  }
0xbd: {  	[tilespmem:s16], [sflag:$0x2] =	stream.linear.gather [hbm4b:s19+s2], $0x4000, $0x38;
	[tilespmem:$0x18000] =	vst v63  }
0xbe: {  	s8 =	rddreg [dreg:$0x7]  }
0xbf: {  	s15 =	rddreg [dreg:$0xe];
	s8 =	sshrl.u32 @p0 s8, $0x3  }
0xc0: {  	[spmem:s8], [sflag:s12] =	dma.local @p0 [hbm:s15], $0x800  }
0xc1: {  	_ =	swait.ge [sflag:s29], $0x4000  }
0xc2: {  	[sflag:s29] =	ssyncset.done $0x0  }
0xc3: {  	[sflag:s29] =	ssyncadd.s32 $0xFFFFC000  }
0xc4: {  	_ =	swait.ge [sflag:s22], $0x800  }
0xc5: {  	[sflag:s22] =	ssyncset.done $0x0  }
0xc6: {  	[sflag:s22] =	ssyncadd.s32 $0xFFFFF800  }
0xc7: {  	_ =	swait.ge [sflag:s7], $0x4000  }
0xc8: {  	[sflag:s7] =	ssyncset.done $0x0  }
0xc9: {  	s24 =	simm.s32 $0xB;
	s21 =	sshll.u32 s11, $0x4;
	[sflag:s7] =	ssyncadd.s32 $0xFFFFC000  }
0xca: {  	s11 =	sor.u32 s31, s21;
	s8 =	sor.u32 s5, s21;
	_ =	swait.ge [sflag:s24], $0x800  }
0xcb: {  	s11 =	sshll.u32 s11, $0x7;
	s8 =	sshll.u32 s8, $0x7;
	[sflag:s24] =	ssyncset.done $0x0  }
0xcc: {  	s11 =	sadd.s32 s4, s11;
	s8 =	sadd.s32 s4, s8;
	[sflag:s24] =	ssyncadd.s32 $0xFFFFF800  }
0xcd: {  	[hbm4b:s11+s2] =	stream.linear.scatter [tilespmem:s2], [sflag:$0x3], $0x4000, $0x38;
	[tilespmem:$0x18000] =	vst v63  }
0xce: {  	[hbm:s8], [sflag:s14] =	dma.local [spmem:s30], $0x800  }
0xcf: {  	s8 =	simm.s32 @p0 $0x0;
	s11 =	rddreg [dreg:$0xf]  }
0xd0: {  	[tilespmem:s8], [sflag:$0x1] =	stream.linear.gather @p0 [hbm4b:s11+s8], $0x4000, $0x38;
	[tilespmem:$0x18000] =	vst v63  }
0xd1: {  	s8 =	rddreg [dreg:$0x9]  }
0xd2: {  	s11 =	rddreg [dreg:$0x10];
	s8 =	sshrl.u32 @p0 s8, $0x3  }
0xd3: {  	[spmem:s8], [sflag:s20] =	dma.local @p0 [hbm:s11], $0x800  }
0xd4: {  	_ =	swait.ge [sflag:s3], $0x4000  }
0xd5: {  	[sflag:s3] =	ssyncset.done $0x0  }
0xd6: {  	[sflag:s3] =	ssyncadd.s32 $0xFFFFC000  }
0xd7: {  	_ =	swait.ge [sflag:s23], $0x800  }
0xd8: {  	[sflag:s23] =	ssyncset.done $0x0  }
0xd9: {  	[sflag:s23] =	ssyncadd.s32 $0xFFFFF800  }
0xda: {  	s26 =	sshll.u32 s17, $0x4;
	_ =	swait.ge [sflag:s6], $0x4000  }
0xdb: {  	s28 =	sor.u32 s31, s26;
	[sflag:s6] =	ssyncset.done $0x0  }
0xdc: {  	s2 =	simm.s32 $0x0;
	s30 =	simm.s32 $0xC;
	[sflag:s6] =	ssyncadd.s32 $0xFFFFC000  }
.Ltmp2:
0xdd: {  	s8 =	sor.u32 s5, s26;
	_ =	swait.ge [sflag:s30], $0x800;
	(pc) =	sbr.rel @!p0 .LBB2_4-.Ltmp2, $4  }
0xde: {  	s11 =	sshll.u32 s28, $0x7;
	s8 =	sshll.u32 s8, $0x7;
	[sflag:s30] =	ssyncset.done $0x0  }
0xdf: {  	s11 =	sadd.s32 s4, s11;
	s8 =	sadd.s32 s4, s8;
	[sflag:s30] =	ssyncadd.s32 $0xFFFFF800  }
0xe0: {  	[hbm4b:s11+s2] =	stream.linear.scatter [tilespmem:s16], [sflag:$0x4], $0x4000, $0x38;
	[tilespmem:$0x18000] =	vst v63  }
0xe1: {  	[hbm:s8], [sflag:s13] =	dma.local [spmem:s25], $0x800  }
.Ltmp3:
0xe2: {  	(pc) =	sbr.rel .LBB2_2-.Ltmp3, $4  }
0xe3: {  	_ = 	snop  }
0xe4: {  	s8 =	rddreg [dreg:$0x11]  }
0xe5: {  	s11 =	simm.s32 $0x1;
	p0 =	por $0x0, $0x0;
	s13 =	rddreg [dreg:$0x12]  }
0xe6: {  	[tilespmem:s16], [sflag:$0x2] =	stream.linear.gather [hbm4b:s8+s2], $0x4000, $0x38;
	[tilespmem:$0x18000] =	vst v63  }
.LBB2_5:
0xe7: {  	_ =	sfence.sel $0x180000  }
0xe8: {  	[bflag:$0x0] =	sbarrier.arrive $0xFFFF  }
0xe9: {  	_ =	strace $0x90000047  }
0xea: {  	s0 =	stileid.u32;
	[bflag:$0x2] =	sbarrier.arrive $0xFFFF  }
0xeb: {  	p0 =	sne.s32 s0, $0x0;
	s0 =	rddreg [dreg:$0x3]  }
0xec: {  	s0 =	sadd.s32 @!p0 $0x100000, s0  }
0xed: {  	[sflag:s0] =	ssyncadd.tile.s32 @!p0 $0x1;
	_ =	shalt  }
.Lfunc_end2:
_tile_overlayer_lowered:
.L_overlay_start_2:
0xee: {  	(tag) =	ssettag $0x2  }
0xef: {  	s0 =	rddreg [dreg:$0x0];
	s2 =	stileid.u32  }
0xf0: {  	s1 =	rddreg [dreg:$0x1];
	p0 =	sne.s32 s2, $0x0  }
0xf1: {  	s3 =	rddreg [dreg:$0x2];
	[bflag:$0x3] =	sbarrier.arrive $0xFFFF;
	s2 =	simm.s32 @!p0 $0x1C0D  }
0xf2: {  	[timem:s3], [sflag:s2] =	dma.local @!p0 [hbm:s0], s1  }
0xf3: {  	s0 =	simm.s32 @!p0 $0xD  }
0xf4: {  	_ =	swait.ge @!p0 [sflag:s0], s1  }
0xf5: {  	s1 =	ssub.s32 @!p0 $0x0, s1;
	[sflag:s0] =	ssyncset.done @!p0 $0x0  }
0xf6: {  	[sflag:s0] =	ssyncadd.s32 @!p0 s1  }
0xf7: {  	[bflag:$0x3] =	sbarrier.arrive $0xFFFF  }
0xf8: {  	_ =	shalt  }

</sc_bundles>
